<compile_context>
chip_gen: v7x
topology: tpu7x:2x2x1
jax: 0.10.2.dev20260603
libtpu: 0.0.44.dev20260713+nightly
codegen_flags: <defaults>
</compile_context>

<pallas_src>
import functools

import jax
import jax.numpy as jnp
from jax import lax
from jax.experimental import pallas as pl
from jax.experimental.pallas import tpu as pltpu
from jax.experimental.pallas import tpu_sc as plsc

SPATIAL = 27
CH = 128
K = 32
NW = 32
C_NODES = 8
EDGE_ROWS = (C_NODES * K) // 128
ACC_ROWS = C_NODES * SPATIAL


def _sc_bin_accumulate(n_pad, chunks_per_worker):
    n_chunks = n_pad // C_NODES
    mesh = plsc.VectorSubcoreMesh(core_axis_name="c", subcore_axis_name="s")

    @functools.partial(
        pl.kernel,
        out_type=jax.ShapeDtypeStruct((n_pad * SPATIAL, CH), jnp.float32),
        mesh=mesh,
        scratch_types=[
            pltpu.VMEM((EDGE_ROWS, 128), jnp.int32),
            pltpu.VMEM((EDGE_ROWS, 128), jnp.int32),
            pltpu.VMEM((EDGE_ROWS, 128), jnp.int32),
            pltpu.VMEM((EDGE_ROWS, 128, CH), jnp.float32),
            pltpu.VMEM((ACC_ROWS, CH), jnp.float32),
            pltpu.VMEM_SHARED((16 * ACC_ROWS, CH), jnp.float32),
        ],
    )
    def sc_kernel(feat_hbm, nn_hbm, bin_hbm, acc_hbm,
                  idx_v, bin_v, dst_v, rows_v, zeros_v, acc_sh):
        sid = lax.axis_index("s")
        wid = sid * 2 + lax.axis_index("c")
        acc_base = sid * ACC_ROWS

        @pl.loop(0, ACC_ROWS)
        def _zinit(r):
            for q in range(CH // 16):
                zeros_v[r, pl.ds(q * 16, 16)] = jnp.zeros((16,), jnp.float32)

        @pl.loop(0, chunks_per_worker)
        def _chunk(t):
            c = wid * chunks_per_worker + t
            pltpu.sync_copy(nn_hbm.at[c], idx_v)
            pltpu.sync_copy(bin_hbm.at[c], bin_v)
            for j in range(EDGE_ROWS):
                pltpu.sync_copy(feat_hbm.at[idx_v.at[j]], rows_v.at[j])

            pltpu.sync_copy(zeros_v, acc_sh.at[pl.ds(acc_base, ACC_ROWS)])

            for j in range(EDGE_ROWS):
                for i in range(8):
                    node_local = (j * 128 + i * 16) // K
                    dst_v[j, pl.ds(i * 16, 16)] = (
                        bin_v[j, pl.ds(i * 16, 16)]
                        + (acc_base + node_local * SPATIAL))

            for j in range(EDGE_ROWS):
                pltpu.sync_copy(rows_v.at[j], acc_sh.at[dst_v.at[j]], add=True)

            pltpu.sync_copy(acc_sh.at[pl.ds(acc_base, ACC_ROWS)],
                            acc_hbm.at[pl.ds(c * ACC_ROWS, ACC_ROWS)])

    return sc_kernel


def _tc_matmul_body(a_ref, w_ref, o_ref):
    o_ref[...] = jnp.dot(a_ref[...], w_ref[...],
                         preferred_element_type=jnp.float32)


def _tc_matmul(acc2, w2, bm):
    n_pad = acc2.shape[0]
    kdim = SPATIAL * CH
    return pl.pallas_call(
        _tc_matmul_body,
        grid=(n_pad // bm,),
        in_specs=[
            pl.BlockSpec((bm, kdim), lambda i: (i, 0)),
            pl.BlockSpec((kdim, CH), lambda i: (0, 0)),
        ],
        out_specs=pl.BlockSpec((bm, CH), lambda i: (i, 0)),
        out_shape=jax.ShapeDtypeStruct((n_pad, CH), jnp.float32),
    )(acc2, w2)


def kernel(feat_in, nn_list, bin_ids, weight):
    n, k = nn_list.shape
    assert k == K and feat_in.shape[1] == CH

    nodes_per_worker_chunked = -(-n // (NW * C_NODES))
    chunks_per_worker = nodes_per_worker_chunked
    n_pad = NW * chunks_per_worker * C_NODES
    n_chunks = n_pad // C_NODES

    nn_flat = nn_list.reshape(-1)
    bin_flat = bin_ids.reshape(-1)
    pad_e = n_pad * K - n * K
    if pad_e:
        nn_flat = jnp.concatenate([nn_flat, jnp.zeros((pad_e,), jnp.int32)])
        bin_flat = jnp.concatenate([bin_flat, jnp.zeros((pad_e,), jnp.int32)])
    nn3 = nn_flat.reshape(n_chunks, EDGE_ROWS, 128)
    bin3 = bin_flat.reshape(n_chunks, EDGE_ROWS, 128)

    acc = _sc_bin_accumulate(n_pad, chunks_per_worker)(feat_in, nn3, bin3)
    acc2 = acc.reshape(n_pad, SPATIAL * CH)

    w2 = weight.reshape(SPATIAL, CH, CH).transpose(0, 2, 1).reshape(
        SPATIAL * CH, CH)

    out = _tc_matmul(acc2, w2, bm=512)
    return out[:n].reshape(n, CH, 1)

# --- scband reference (transcript-rebuilt; emitter-appended) ---
"""Pipeline reference for scband-cconv-61168924230390 (READ-ONLY COPY).

The authoritative reference and input builder live on the scoring server;
editing this copy changes nothing except your own understanding.
"""

import jax, jax.numpy as jnp
import numpy as np

SPATIAL = 27
CH_IN = 128
CH_OUT = 128
N_NODES = 10000
MAX_SIZE = 32


def setup_inputs(seed: int = 0) -> dict:
    key = jax.random.key(seed)
    k1, k2, k3, k4 = jax.random.split(key, 4)
    feat_in = jax.random.normal(k1, (N_NODES, CH_IN), dtype=jnp.float32)
    # neighbor list set via CConv.set_geometry: indices of up to MaxSize neighbors per node
    nn_list = jax.random.randint(k2, (N_NODES, MAX_SIZE), 0, N_NODES, dtype=jnp.int32)
    # spatial-bin id per (node, neighbor) pair; SelectMat = one_hot(bin_ids, spatial)
    bin_ids = jax.random.randint(k3, (N_NODES * MAX_SIZE,), 0, SPATIAL, dtype=jnp.int32)
    # learned parameter: weight[spatial, ch_out * ch_in]
    weight = jax.random.normal(k4, (SPATIAL, CH_OUT * CH_IN), dtype=jnp.float32) * 0.05
    return {"feat_in": feat_in, "nn_list": nn_list, "bin_ids": bin_ids, "weight": weight}


def reference(feat_in, nn_list, bin_ids, weight):
    N, K = nn_list.shape
    # fb.feat_batch: gather neighbor features -> [N, MaxSize, ch_in, 1]
    batch_feat = jnp.take(feat_in, nn_list, axis=0).reshape(N, K, CH_IN, 1)
    # fb.raw_batch produced SelectMat: one-hot selection of spatial bin per neighbor
    select_mat = jax.nn.one_hot(bin_ids, SPATIAL, dtype=weight.dtype)  # [N*K, spatial]
    # batch_weight = SelectMat @ weight -> [N, MaxSize, ch_out, ch_in]
    batch_weight = jnp.matmul(select_mat, weight).reshape(N, K, CH_OUT, CH_IN)
    # per-neighbor matvec then sum over neighbors -> [N, ch_out, 1]
    feat_out = jnp.matmul(batch_weight, batch_feat).sum(axis=1)
    return feat_out

if __name__ == "__main__":
    import jax
    _d = setup_inputs()
    print(jax.jit(kernel)(*tuple(_d.values())))

</pallas_src>

<mosaic_0001>
#map = affine_map<(d0, d1) -> (0, 0)>
#map1 = affine_map<(d0, d1) -> (0, 0, 0)>
module attributes {stable_mosaic.version = 14 : i64} {
  func.func @sc_kernel(%arg0: i32, %arg1: i32, %arg2: memref<10000x128xf32, #tpu.memory_space<hbm>>, %arg3: memref<1280x2x128xi32, #tpu.memory_space<hbm>>, %arg4: memref<1280x2x128xi32, #tpu.memory_space<hbm>>, %arg5: memref<276480x128xf32, #tpu.memory_space<hbm>>, %arg6: memref<2x128xi32, #tpu.memory_space<vmem>>, %arg7: memref<2x128xi32, #tpu.memory_space<vmem>>, %arg8: memref<2x128xi32, #tpu.memory_space<vmem>>, %arg9: memref<2x128x128xf32, #tpu.memory_space<vmem>>, %arg10: memref<216x128xf32, #tpu.memory_space<vmem>>, %arg11: memref<3456x128xf32, #tpu.memory_space<vmem_shared>>) attributes {dimension_semantics = [#tpu.dimension_semantics<core_parallel>, #tpu.dimension_semantics<subcore_parallel>], iteration_bounds = array<i64: 2, 16>, scalar_prefetch = 0 : i64, scratch_operands = 6 : i64, tpu.core_type = #tpu.core_type<sc_vector_subcore>, window_params = [{transform_indices = #map}, {transform_indices = #map1}, {transform_indices = #map1}, {transform_indices = #map}]} {
    %mul3A = arith.constant 2 : i32
    %mul3A_0 = arith.muli %arg1, %mul3A : i32
    %add3A = arith.addi %mul3A_0, %arg0 : i32
    %mul3A_1 = arith.constant 216 : i32
    %mul3A_2 = arith.muli %arg1, %mul3A_1 : i32
    %scan3A = arith.constant 0 : i32
    %scan3A_3 = arith.constant 216 : i32
    %scan3A_4 = arith.addi %scan3A, %scan3A_3 : i32
    %scan3A_5 = arith.constant 1 : i32
    scf.for %scan3A_12 = %scan3A to %scan3A_4 step %scan3A_5  : i32 {
      %mul3A_13 = arith.constant 1 : i32
      %mul3A_14 = arith.muli %scan3A_12, %mul3A_13 : i32
      %add3A_15 = arith.constant 0 : i32
      %add3A_16 = arith.addi %add3A_15, %mul3A_14 : i32
      %broadcast_in_dim3A = arith.constant 0.000000e+00 : f32
      %broadcast_in_dim3A_17 = vector.broadcast %broadcast_in_dim3A : f32 to vector<16xf32>
      %swap3A = arith.index_cast %add3A_16 : i32 to index
      %swap3A_18 = arith.constant 0 : index
      %swap3A_19 = tpu.vector_load %arg10[%swap3A, %swap3A_18] {strides = array<i32>} : memref<216x128xf32, #tpu.memory_space<vmem>>, vector<1x16xf32>,
      %swap3A_20 = vector.shape_cast %swap3A_19 : vector<1x16xf32> to vector<16xf32>
      %swap3A_21 = vector.shape_cast %broadcast_in_dim3A_17 : vector<16xf32> to vector<1x16xf32>
      tpu.vector_store %arg10[%swap3A, %swap3A_18], %swap3A_21 {strides = array<i32>} : memref<216x128xf32, #tpu.memory_space<vmem>>, vector<1x16xf32>,
      %broadcast_in_dim3A_22 = arith.constant 0.000000e+00 : f32
      %broadcast_in_dim3A_23 = vector.broadcast %broadcast_in_dim3A_22 : f32 to vector<16xf32>
      %swap3A_24 = arith.index_cast %add3A_16 : i32 to index
      %swap3A_25 = arith.constant 16 : index
      %swap3A_26 = tpu.vector_load %arg10[%swap3A_24, %swap3A_25] {strides = array<i32>} : memref<216x128xf32, #tpu.memory_space<vmem>>, vector<1x16xf32>,
      %swap3A_27 = vector.shape_cast %swap3A_26 : vector<1x16xf32> to vector<16xf32>
      %swap3A_28 = vector.shape_cast %broadcast_in_dim3A_23 : vector<16xf32> to vector<1x16xf32>
      tpu.vector_store %arg10[%swap3A_24, %swap3A_25], %swap3A_28 {strides = array<i32>} : memref<216x128xf32, #tpu.memory_space<vmem>>, vector<1x16xf32>,
      %broadcast_in_dim3A_29 = arith.constant 0.000000e+00 : f32
      %broadcast_in_dim3A_30 = vector.broadcast %broadcast_in_dim3A_29 : f32 to vector<16xf32>
      %swap3A_31 = arith.index_cast %add3A_16 : i32 to index
      %swap3A_32 = arith.constant 32 : index
      %swap3A_33 = tpu.vector_load %arg10[%swap3A_31, %swap3A_32] {strides = array<i32>} : memref<216x128xf32, #tpu.memory_space<vmem>>, vector<1x16xf32>,
      %swap3A_34 = vector.shape_cast %swap3A_33 : vector<1x16xf32> to vector<16xf32>
      %swap3A_35 = vector.shape_cast %broadcast_in_dim3A_30 : vector<16xf32> to vector<1x16xf32>
      tpu.vector_store %arg10[%swap3A_31, %swap3A_32], %swap3A_35 {strides = array<i32>} : memref<216x128xf32, #tpu.memory_space<vmem>>, vector<1x16xf32>,
      %broadcast_in_dim3A_36 = arith.constant 0.000000e+00 : f32
      %broadcast_in_dim3A_37 = vector.broadcast %broadcast_in_dim3A_36 : f32 to vector<16xf32>
      %swap3A_38 = arith.index_cast %add3A_16 : i32 to index
      %swap3A_39 = arith.constant 48 : index
      %swap3A_40 = tpu.vector_load %arg10[%swap3A_38, %swap3A_39] {strides = array<i32>} : memref<216x128xf32, #tpu.memory_space<vmem>>, vector<1x16xf32>,
      %swap3A_41 = vector.shape_cast %swap3A_40 : vector<1x16xf32> to vector<16xf32>
      %swap3A_42 = vector.shape_cast %broadcast_in_dim3A_37 : vector<16xf32> to vector<1x16xf32>
      tpu.vector_store %arg10[%swap3A_38, %swap3A_39], %swap3A_42 {strides = array<i32>} : memref<216x128xf32, #tpu.memory_space<vmem>>, vector<1x16xf32>,
      %broadcast_in_dim3A_43 = arith.constant 0.000000e+00 : f32
      %broadcast_in_dim3A_44 = vector.broadcast %broadcast_in_dim3A_43 : f32 to vector<16xf32>
      %swap3A_45 = arith.index_cast %add3A_16 : i32 to index
      %swap3A_46 = arith.constant 64 : index
      %swap3A_47 = tpu.vector_load %arg10[%swap3A_45, %swap3A_46] {strides = array<i32>} : memref<216x128xf32, #tpu.memory_space<vmem>>, vector<1x16xf32>,
      %swap3A_48 = vector.shape_cast %swap3A_47 : vector<1x16xf32> to vector<16xf32>
      %swap3A_49 = vector.shape_cast %broadcast_in_dim3A_44 : vector<16xf32> to vector<1x16xf32>
      tpu.vector_store %arg10[%swap3A_45, %swap3A_46], %swap3A_49 {strides = array<i32>} : memref<216x128xf32, #tpu.memory_space<vmem>>, vector<1x16xf32>,
      %broadcast_in_dim3A_50 = arith.constant 0.000000e+00 : f32
      %broadcast_in_dim3A_51 = vector.broadcast %broadcast_in_dim3A_50 : f32 to vector<16xf32>
      %swap3A_52 = arith.index_cast %add3A_16 : i32 to index
      %swap3A_53 = arith.constant 80 : index
      %swap3A_54 = tpu.vector_load %arg10[%swap3A_52, %swap3A_53] {strides = array<i32>} : memref<216x128xf32, #tpu.memory_space<vmem>>, vector<1x16xf32>,
      %swap3A_55 = vector.shape_cast %swap3A_54 : vector<1x16xf32> to vector<16xf32>
      %swap3A_56 = vector.shape_cast %broadcast_in_dim3A_51 : vector<16xf32> to vector<1x16xf32>
      tpu.vector_store %arg10[%swap3A_52, %swap3A_53], %swap3A_56 {strides = array<i32>} : memref<216x128xf32, #tpu.memory_space<vmem>>, vector<1x16xf32>,
      %broadcast_in_dim3A_57 = arith.constant 0.000000e+00 : f32
      %broadcast_in_dim3A_58 = vector.broadcast %broadcast_in_dim3A_57 : f32 to vector<16xf32>
      %swap3A_59 = arith.index_cast %add3A_16 : i32 to index
      %swap3A_60 = arith.constant 96 : index
      %swap3A_61 = tpu.vector_load %arg10[%swap3A_59, %swap3A_60] {strides = array<i32>} : memref<216x128xf32, #tpu.memory_space<vmem>>, vector<1x16xf32>,
      %swap3A_62 = vector.shape_cast %swap3A_61 : vector<1x16xf32> to vector<16xf32>
      %swap3A_63 = vector.shape_cast %broadcast_in_dim3A_58 : vector<16xf32> to vector<1x16xf32>
      tpu.vector_store %arg10[%swap3A_59, %swap3A_60], %swap3A_63 {strides = array<i32>} : memref<216x128xf32, #tpu.memory_space<vmem>>, vector<1x16xf32>,
      %broadcast_in_dim3A_64 = arith.constant 0.000000e+00 : f32
      %broadcast_in_dim3A_65 = vector.broadcast %broadcast_in_dim3A_64 : f32 to vector<16xf32>
      %swap3A_66 = arith.index_cast %add3A_16 : i32 to index
      %swap3A_67 = arith.constant 112 : index
      %swap3A_68 = tpu.vector_load %arg10[%swap3A_66, %swap3A_67] {strides = array<i32>} : memref<216x128xf32, #tpu.memory_space<vmem>>, vector<1x16xf32>,
      %swap3A_69 = vector.shape_cast %swap3A_68 : vector<1x16xf32> to vector<16xf32>
      %swap3A_70 = vector.shape_cast %broadcast_in_dim3A_65 : vector<16xf32> to vector<1x16xf32>
      tpu.vector_store %arg10[%swap3A_66, %swap3A_67], %swap3A_70 {strides = array<i32>} : memref<216x128xf32, #tpu.memory_space<vmem>>, vector<1x16xf32>,
    }
    %scan3A_6 = arith.constant 216 : i32
    %scan3A_7 = arith.constant 0 : i32
    %scan3A_8 = arith.constant 40 : i32
    %scan3A_9 = arith.addi %scan3A_7, %scan3A_8 : i32
    %scan3A_10 = arith.constant 1 : i32
    scf.for %scan3A_12 = %scan3A_7 to %scan3A_9 step %scan3A_10  : i32 {
      %mul3A_13 = arith.constant 1 : i32
      %mul3A_14 = arith.muli %scan3A_12, %mul3A_13 : i32
      %add3A_15 = arith.constant 0 : i32
      %add3A_16 = arith.addi %add3A_15, %mul3A_14 : i32
      %mul3A_17 = arith.constant 40 : i32
      %mul3A_18 = arith.muli %add3A, %mul3A_17 : i32
      %add3A_19 = arith.addi %mul3A_18, %add3A_16 : i32
      "tpu.region"() ({
        %run_scoped3A_267 = tpu.sem_alloc : memref<!tpu.dma_semaphore, #tpu.memory_space<semaphore_mem>>
        %dma_start3A = arith.constant 0 : i32
        %dma_start3A_268 = arith.constant 0 : i32
        %dma_start3A_269 = tpu.memref_slice %arg3[%add3A_19, %dma_start3A, %dma_start3A_268] : memref<1280x2x128xi32, #tpu.memory_space<hbm>> -> memref<1x2x128xi32, #tpu.memory_space<hbm>>
        %dma_start3A_270 = tpu.memref_squeeze %dma_start3A_269 : memref<1x2x128xi32, #tpu.memory_space<hbm>> -> memref<2x128xi32, #tpu.memory_space<hbm>>
        %dma_start3A_271 = arith.constant 0 : i32
        %dma_start3A_272 = arith.constant 0 : i32
        %dma_start3A_273 = tpu.memref_slice %arg3[%add3A_19, %dma_start3A_271, %dma_start3A_272] : memref<1280x2x128xi32, #tpu.memory_space<hbm>> -> memref<1x2x128xi32, #tpu.memory_space<hbm>>
        %dma_start3A_274 = tpu.memref_squeeze %dma_start3A_273 : memref<1x2x128xi32, #tpu.memory_space<hbm>> -> memref<2x128xi32, #tpu.memory_space<hbm>>
        tpu.enqueue_dma source(%dma_start3A_274 : memref<2x128xi32, #tpu.memory_space<hbm>>) target(%arg6 : memref<2x128xi32, #tpu.memory_space<vmem>>) target_semaphore(%run_scoped3A_267 : memref<!tpu.dma_semaphore, #tpu.memory_space<semaphore_mem>>)
        %dma_wait3A = arith.constant 0 : i32
        %dma_wait3A_275 = arith.constant 0 : i32
        %dma_wait3A_276 = tpu.memref_slice %arg3[%add3A_19, %dma_wait3A, %dma_wait3A_275] : memref<1280x2x128xi32, #tpu.memory_space<hbm>> -> memref<1x2x128xi32, #tpu.memory_space<hbm>>
        %dma_wait3A_277 = tpu.memref_squeeze %dma_wait3A_276 : memref<1x2x128xi32, #tpu.memory_space<hbm>> -> memref<2x128xi32, #tpu.memory_space<hbm>>
        %dma_wait3A_278 = arith.constant 0 : i32
        %dma_wait3A_279 = arith.constant 0 : i32
        %dma_wait3A_280 = tpu.memref_slice %arg3[%add3A_19, %dma_wait3A_278, %dma_wait3A_279] : memref<1280x2x128xi32, #tpu.memory_space<hbm>> -> memref<1x2x128xi32, #tpu.memory_space<hbm>>
        %dma_wait3A_281 = tpu.memref_squeeze %dma_wait3A_280 : memref<1x2x128xi32, #tpu.memory_space<hbm>> -> memref<2x128xi32, #tpu.memory_space<hbm>>
        tpu.wait_dma2 semaphore(%run_scoped3A_267 : memref<!tpu.dma_semaphore, #tpu.memory_space<semaphore_mem>>) src(%dma_wait3A_281 : memref<2x128xi32, #tpu.memory_space<hbm>>) dst(%arg6 : memref<2x128xi32, #tpu.memory_space<vmem>>)
        tpu.yield
      }) : () -> ()
      "tpu.region"() ({
        %run_scoped3A_267 = tpu.sem_alloc : memref<!tpu.dma_semaphore, #tpu.memory_space<semaphore_mem>>
        %dma_start3A = arith.constant 0 : i32
        %dma_start3A_268 = arith.constant 0 : i32
        %dma_start3A_269 = tpu.memref_slice %arg4[%add3A_19, %dma_start3A, %dma_start3A_268] : memref<1280x2x128xi32, #tpu.memory_space<hbm>> -> memref<1x2x128xi32, #tpu.memory_space<hbm>>
        %dma_start3A_270 = tpu.memref_squeeze %dma_start3A_269 : memref<1x2x128xi32, #tpu.memory_space<hbm>> -> memref<2x128xi32, #tpu.memory_space<hbm>>
        %dma_start3A_271 = arith.constant 0 : i32
        %dma_start3A_272 = arith.constant 0 : i32
        %dma_start3A_273 = tpu.memref_slice %arg4[%add3A_19, %dma_start3A_271, %dma_start3A_272] : memref<1280x2x128xi32, #tpu.memory_space<hbm>> -> memref<1x2x128xi32, #tpu.memory_space<hbm>>
        %dma_start3A_274 = tpu.memref_squeeze %dma_start3A_273 : memref<1x2x128xi32, #tpu.memory_space<hbm>> -> memref<2x128xi32, #tpu.memory_space<hbm>>
        tpu.enqueue_dma source(%dma_start3A_274 : memref<2x128xi32, #tpu.memory_space<hbm>>) target(%arg7 : memref<2x128xi32, #tpu.memory_space<vmem>>) target_semaphore(%run_scoped3A_267 : memref<!tpu.dma_semaphore, #tpu.memory_space<semaphore_mem>>)
        %dma_wait3A = arith.constant 0 : i32
        %dma_wait3A_275 = arith.constant 0 : i32
        %dma_wait3A_276 = tpu.memref_slice %arg4[%add3A_19, %dma_wait3A, %dma_wait3A_275] : memref<1280x2x128xi32, #tpu.memory_space<hbm>> -> memref<1x2x128xi32, #tpu.memory_space<hbm>>
        %dma_wait3A_277 = tpu.memref_squeeze %dma_wait3A_276 : memref<1x2x128xi32, #tpu.memory_space<hbm>> -> memref<2x128xi32, #tpu.memory_space<hbm>>
        %dma_wait3A_278 = arith.constant 0 : i32
        %dma_wait3A_279 = arith.constant 0 : i32
        %dma_wait3A_280 = tpu.memref_slice %arg4[%add3A_19, %dma_wait3A_278, %dma_wait3A_279] : memref<1280x2x128xi32, #tpu.memory_space<hbm>> -> memref<1x2x128xi32, #tpu.memory_space<hbm>>
        %dma_wait3A_281 = tpu.memref_squeeze %dma_wait3A_280 : memref<1x2x128xi32, #tpu.memory_space<hbm>> -> memref<2x128xi32, #tpu.memory_space<hbm>>
        tpu.wait_dma2 semaphore(%run_scoped3A_267 : memref<!tpu.dma_semaphore, #tpu.memory_space<semaphore_mem>>) src(%dma_wait3A_281 : memref<2x128xi32, #tpu.memory_space<hbm>>) dst(%arg7 : memref<2x128xi32, #tpu.memory_space<vmem>>)
        tpu.yield
      }) : () -> ()
      %run_scoped3A = arith.constant 0 : i32
      %run_scoped3A_20 = arith.constant 0 : i32
      "tpu.region"() ({
        %run_scoped3A_267 = tpu.sem_alloc : memref<!tpu.dma_semaphore, #tpu.memory_space<semaphore_mem>>
        %dma_start3A = arith.constant 0 : i32
        %dma_start3A_268 = arith.constant 0 : i32
        %dma_start3A_269 = tpu.memref_slice %arg9[%run_scoped3A_20, %dma_start3A, %dma_start3A_268] : memref<2x128x128xf32, #tpu.memory_space<vmem>> -> memref<1x128x128xf32, #tpu.memory_space<vmem>>
        %dma_start3A_270 = tpu.memref_squeeze %dma_start3A_269 : memref<1x128x128xf32, #tpu.memory_space<vmem>> -> memref<128x128xf32, #tpu.memory_space<vmem>>
        %dma_start3A_271 = arith.constant 0 : i32
        %dma_start3A_272 = tpu.memref_slice %arg6[%run_scoped3A, %dma_start3A_271] : memref<2x128xi32, #tpu.memory_space<vmem>> -> memref<1x128xi32, #tpu.memory_space<vmem>>
        %dma_start3A_273 = tpu.memref_squeeze %dma_start3A_272 : memref<1x128xi32, #tpu.memory_space<vmem>> -> memref<128xi32, #tpu.memory_space<vmem>>
        %dma_start3A_274 = arith.constant 0 : i32
        %dma_start3A_275 = arith.constant 0 : i32
        %dma_start3A_276 = tpu.memref_slice %arg2[%dma_start3A_274, %dma_start3A_275] : memref<10000x128xf32, #tpu.memory_space<hbm>> -> memref<10000x128xf32, #tpu.memory_space<hbm>>
        tpu.enqueue_indirect_dma source(%dma_start3A_276 : memref<10000x128xf32, #tpu.memory_space<hbm>>) target(%dma_start3A_270 : memref<128x128xf32, #tpu.memory_space<vmem>>) offsets(%dma_start3A_273 : memref<128xi32, #tpu.memory_space<vmem>>) semaphore(%run_scoped3A_267 : memref<!tpu.dma_semaphore, #tpu.memory_space<semaphore_mem>>)
        %dma_wait3A = arith.constant 0 : i32
        %dma_wait3A_277 = arith.constant 0 : i32
        %dma_wait3A_278 = tpu.memref_slice %arg9[%run_scoped3A_20, %dma_wait3A, %dma_wait3A_277] : memref<2x128x128xf32, #tpu.memory_space<vmem>> -> memref<1x128x128xf32, #tpu.memory_space<vmem>>
        %dma_wait3A_279 = tpu.memref_squeeze %dma_wait3A_278 : memref<1x128x128xf32, #tpu.memory_space<vmem>> -> memref<128x128xf32, #tpu.memory_space<vmem>>
        %dma_wait3A_280 = arith.constant 0 : i32
        %dma_wait3A_281 = tpu.memref_slice %arg6[%run_scoped3A, %dma_wait3A_280] : memref<2x128xi32, #tpu.memory_space<vmem>> -> memref<1x128xi32, #tpu.memory_space<vmem>>
        %dma_wait3A_282 = tpu.memref_squeeze %dma_wait3A_281 : memref<1x128xi32, #tpu.memory_space<vmem>> -> memref<128xi32, #tpu.memory_space<vmem>>
        %dma_wait3A_283 = arith.constant 0 : i32
        %dma_wait3A_284 = arith.constant 0 : i32
        %dma_wait3A_285 = tpu.memref_slice %arg2[%dma_wait3A_283, %dma_wait3A_284] : memref<10000x128xf32, #tpu.memory_space<hbm>> -> memref<10000x128xf32, #tpu.memory_space<hbm>>
        tpu.wait_indirect_dma semaphore(%run_scoped3A_267 : memref<!tpu.dma_semaphore, #tpu.memory_space<semaphore_mem>>) src(%dma_wait3A_285 : memref<10000x128xf32, #tpu.memory_space<hbm>>) dst(%dma_wait3A_279 : memref<128x128xf32, #tpu.memory_space<vmem>>)
        tpu.yield
      }) : () -> ()
      %run_scoped3A_21 = arith.constant 1 : i32
      %run_scoped3A_22 = arith.constant 1 : i32
      "tpu.region"() ({
        %run_scoped3A_267 = tpu.sem_alloc : memref<!tpu.dma_semaphore, #tpu.memory_space<semaphore_mem>>
        %dma_start3A = arith.constant 0 : i32
        %dma_start3A_268 = arith.constant 0 : i32
        %dma_start3A_269 = tpu.memref_slice %arg9[%run_scoped3A_22, %dma_start3A, %dma_start3A_268] : memref<2x128x128xf32, #tpu.memory_space<vmem>> -> memref<1x128x128xf32, #tpu.memory_space<vmem>>
        %dma_start3A_270 = tpu.memref_squeeze %dma_start3A_269 : memref<1x128x128xf32, #tpu.memory_space<vmem>> -> memref<128x128xf32, #tpu.memory_space<vmem>>
        %dma_start3A_271 = arith.constant 0 : i32
        %dma_start3A_272 = tpu.memref_slice %arg6[%run_scoped3A_21, %dma_start3A_271] : memref<2x128xi32, #tpu.memory_space<vmem>> -> memref<1x128xi32, #tpu.memory_space<vmem>>
        %dma_start3A_273 = tpu.memref_squeeze %dma_start3A_272 : memref<1x128xi32, #tpu.memory_space<vmem>> -> memref<128xi32, #tpu.memory_space<vmem>>
        %dma_start3A_274 = arith.constant 0 : i32
        %dma_start3A_275 = arith.constant 0 : i32
        %dma_start3A_276 = tpu.memref_slice %arg2[%dma_start3A_274, %dma_start3A_275] : memref<10000x128xf32, #tpu.memory_space<hbm>> -> memref<10000x128xf32, #tpu.memory_space<hbm>>
        tpu.enqueue_indirect_dma source(%dma_start3A_276 : memref<10000x128xf32, #tpu.memory_space<hbm>>) target(%dma_start3A_270 : memref<128x128xf32, #tpu.memory_space<vmem>>) offsets(%dma_start3A_273 : memref<128xi32, #tpu.memory_space<vmem>>) semaphore(%run_scoped3A_267 : memref<!tpu.dma_semaphore, #tpu.memory_space<semaphore_mem>>)
        %dma_wait3A = arith.constant 0 : i32
        %dma_wait3A_277 = arith.constant 0 : i32
        %dma_wait3A_278 = tpu.memref_slice %arg9[%run_scoped3A_22, %dma_wait3A, %dma_wait3A_277] : memref<2x128x128xf32, #tpu.memory_space<vmem>> -> memref<1x128x128xf32, #tpu.memory_space<vmem>>
        %dma_wait3A_279 = tpu.memref_squeeze %dma_wait3A_278 : memref<1x128x128xf32, #tpu.memory_space<vmem>> -> memref<128x128xf32, #tpu.memory_space<vmem>>
        %dma_wait3A_280 = arith.constant 0 : i32
        %dma_wait3A_281 = tpu.memref_slice %arg6[%run_scoped3A_21, %dma_wait3A_280] : memref<2x128xi32, #tpu.memory_space<vmem>> -> memref<1x128xi32, #tpu.memory_space<vmem>>
        %dma_wait3A_282 = tpu.memref_squeeze %dma_wait3A_281 : memref<1x128xi32, #tpu.memory_space<vmem>> -> memref<128xi32, #tpu.memory_space<vmem>>
        %dma_wait3A_283 = arith.constant 0 : i32
        %dma_wait3A_284 = arith.constant 0 : i32
        %dma_wait3A_285 = tpu.memref_slice %arg2[%dma_wait3A_283, %dma_wait3A_284] : memref<10000x128xf32, #tpu.memory_space<hbm>> -> memref<10000x128xf32, #tpu.memory_space<hbm>>
        tpu.wait_indirect_dma semaphore(%run_scoped3A_267 : memref<!tpu.dma_semaphore, #tpu.memory_space<semaphore_mem>>) src(%dma_wait3A_285 : memref<10000x128xf32, #tpu.memory_space<hbm>>) dst(%dma_wait3A_279 : memref<128x128xf32, #tpu.memory_space<vmem>>)
        tpu.yield
      }) : () -> ()
      "tpu.region"() ({
        %run_scoped3A_267 = tpu.sem_alloc : memref<!tpu.dma_semaphore, #tpu.memory_space<semaphore_mem>>
        %dma_start3A = arith.constant 0 : i32
        %dma_start3A_268 = tpu.memref_slice %arg11[%mul3A_2, %dma_start3A] : memref<3456x128xf32, #tpu.memory_space<vmem_shared>> -> memref<216x128xf32, #tpu.memory_space<vmem_shared>>
        %dma_start3A_269 = arith.constant 0 : i32
        %dma_start3A_270 = tpu.memref_slice %arg11[%mul3A_2, %dma_start3A_269] : memref<3456x128xf32, #tpu.memory_space<vmem_shared>> -> memref<216x128xf32, #tpu.memory_space<vmem_shared>>
        tpu.enqueue_dma source(%arg10 : memref<216x128xf32, #tpu.memory_space<vmem>>) target(%dma_start3A_270 : memref<216x128xf32, #tpu.memory_space<vmem_shared>>) target_semaphore(%run_scoped3A_267 : memref<!tpu.dma_semaphore, #tpu.memory_space<semaphore_mem>>)
        %dma_wait3A = arith.constant 0 : i32
        %dma_wait3A_271 = tpu.memref_slice %arg11[%mul3A_2, %dma_wait3A] : memref<3456x128xf32, #tpu.memory_space<vmem_shared>> -> memref<216x128xf32, #tpu.memory_space<vmem_shared>>
        %dma_wait3A_272 = arith.constant 0 : i32
        %dma_wait3A_273 = tpu.memref_slice %arg11[%mul3A_2, %dma_wait3A_272] : memref<3456x128xf32, #tpu.memory_space<vmem_shared>> -> memref<216x128xf32, #tpu.memory_space<vmem_shared>>
        tpu.wait_dma2 semaphore(%run_scoped3A_267 : memref<!tpu.dma_semaphore, #tpu.memory_space<semaphore_mem>>) src(%arg10 : memref<216x128xf32, #tpu.memory_space<vmem>>) dst(%dma_wait3A_273 : memref<216x128xf32, #tpu.memory_space<vmem_shared>>)
        tpu.yield
      }) : () -> ()
      %get3A = arith.constant 0 : i32
      %get3A_23 = arith.index_cast %get3A : i32 to index
      %get3A_24 = arith.constant 0 : index
      %get3A_25 = tpu.vector_load %arg7[%get3A_23, %get3A_24] {strides = array<i32>} : memref<2x128xi32, #tpu.memory_space<vmem>>, vector<1x16xi32>,
      %get3A_26 = vector.shape_cast %get3A_25 : vector<1x16xi32> to vector<16xi32>
      %add3A_27 = arith.constant 0 : i32
      %add3A_28 = arith.addi %mul3A_2, %add3A_27 : i32
      %add3A_29 = vector.broadcast %add3A_28 : i32 to vector<16xi32>
      %add3A_30 = arith.addi %get3A_26, %add3A_29 : vector<16xi32>
      %swap3A = arith.constant 0 : i32
      %swap3A_31 = arith.index_cast %swap3A : i32 to index
      %swap3A_32 = arith.constant 0 : index
      %swap3A_33 = tpu.vector_load %arg8[%swap3A_31, %swap3A_32] {strides = array<i32>} : memref<2x128xi32, #tpu.memory_space<vmem>>, vector<1x16xi32>,
      %swap3A_34 = vector.shape_cast %swap3A_33 : vector<1x16xi32> to vector<16xi32>
      %swap3A_35 = vector.shape_cast %add3A_30 : vector<16xi32> to vector<1x16xi32>
      tpu.vector_store %arg8[%swap3A_31, %swap3A_32], %swap3A_35 {strides = array<i32>} : memref<2x128xi32, #tpu.memory_space<vmem>>, vector<1x16xi32>,
      %get3A_36 = arith.constant 0 : i32
      %get3A_37 = arith.index_cast %get3A_36 : i32 to index
      %get3A_38 = arith.constant 16 : index
      %get3A_39 = tpu.vector_load %arg7[%get3A_37, %get3A_38] {strides = array<i32>} : memref<2x128xi32, #tpu.memory_space<vmem>>, vector<1x16xi32>,
      %get3A_40 = vector.shape_cast %get3A_39 : vector<1x16xi32> to vector<16xi32>
      %add3A_41 = arith.constant 0 : i32
      %add3A_42 = arith.addi %mul3A_2, %add3A_41 : i32
      %add3A_43 = vector.broadcast %add3A_42 : i32 to vector<16xi32>
      %add3A_44 = arith.addi %get3A_40, %add3A_43 : vector<16xi32>
      %swap3A_45 = arith.constant 0 : i32
      %swap3A_46 = arith.index_cast %swap3A_45 : i32 to index
      %swap3A_47 = arith.constant 16 : index
      %swap3A_48 = tpu.vector_load %arg8[%swap3A_46, %swap3A_47] {strides = array<i32>} : memref<2x128xi32, #tpu.memory_space<vmem>>, vector<1x16xi32>,
      %swap3A_49 = vector.shape_cast %swap3A_48 : vector<1x16xi32> to vector<16xi32>
      %swap3A_50 = vector.shape_cast %add3A_44 : vector<16xi32> to vector<1x16xi32>
      tpu.vector_store %arg8[%swap3A_46, %swap3A_47], %swap3A_50 {strides = array<i32>} : memref<2x128xi32, #tpu.memory_space<vmem>>, vector<1x16xi32>,
      %get3A_51 = arith.constant 0 : i32
      %get3A_52 = arith.index_cast %get3A_51 : i32 to index
      %get3A_53 = arith.constant 32 : index
      %get3A_54 = tpu.vector_load %arg7[%get3A_52, %get3A_53] {strides = array<i32>} : memref<2x128xi32, #tpu.memory_space<vmem>>, vector<1x16xi32>,
      %get3A_55 = vector.shape_cast %get3A_54 : vector<1x16xi32> to vector<16xi32>
      %add3A_56 = arith.constant 27 : i32
      %add3A_57 = arith.addi %mul3A_2, %add3A_56 : i32
      %add3A_58 = vector.broadcast %add3A_57 : i32 to vector<16xi32>
      %add3A_59 = arith.addi %get3A_55, %add3A_58 : vector<16xi32>
      %swap3A_60 = arith.constant 0 : i32
      %swap3A_61 = arith.index_cast %swap3A_60 : i32 to index
      %swap3A_62 = arith.constant 32 : index
      %swap3A_63 = tpu.vector_load %arg8[%swap3A_61, %swap3A_62] {strides = array<i32>} : memref<2x128xi32, #tpu.memory_space<vmem>>, vector<1x16xi32>,
      %swap3A_64 = vector.shape_cast %swap3A_63 : vector<1x16xi32> to vector<16xi32>
      %swap3A_65 = vector.shape_cast %add3A_59 : vector<16xi32> to vector<1x16xi32>
      tpu.vector_store %arg8[%swap3A_61, %swap3A_62], %swap3A_65 {strides = array<i32>} : memref<2x128xi32, #tpu.memory_space<vmem>>, vector<1x16xi32>,
      %get3A_66 = arith.constant 0 : i32
      %get3A_67 = arith.index_cast %get3A_66 : i32 to index
      %get3A_68 = arith.constant 48 : index
      %get3A_69 = tpu.vector_load %arg7[%get3A_67, %get3A_68] {strides = array<i32>} : memref<2x128xi32, #tpu.memory_space<vmem>>, vector<1x16xi32>,
      %get3A_70 = vector.shape_cast %get3A_69 : vector<1x16xi32> to vector<16xi32>
      %add3A_71 = arith.constant 27 : i32
      %add3A_72 = arith.addi %mul3A_2, %add3A_71 : i32
      %add3A_73 = vector.broadcast %add3A_72 : i32 to vector<16xi32>
      %add3A_74 = arith.addi %get3A_70, %add3A_73 : vector<16xi32>
      %swap3A_75 = arith.constant 0 : i32
      %swap3A_76 = arith.index_cast %swap3A_75 : i32 to index
      %swap3A_77 = arith.constant 48 : index
      %swap3A_78 = tpu.vector_load %arg8[%swap3A_76, %swap3A_77] {strides = array<i32>} : memref<2x128xi32, #tpu.memory_space<vmem>>, vector<1x16xi32>,
      %swap3A_79 = vector.shape_cast %swap3A_78 : vector<1x16xi32> to vector<16xi32>
      %swap3A_80 = vector.shape_cast %add3A_74 : vector<16xi32> to vector<1x16xi32>
      tpu.vector_store %arg8[%swap3A_76, %swap3A_77], %swap3A_80 {strides = array<i32>} : memref<2x128xi32, #tpu.memory_space<vmem>>, vector<1x16xi32>,
      %get3A_81 = arith.constant 0 : i32
      %get3A_82 = arith.index_cast %get3A_81 : i32 to index
      %get3A_83 = arith.constant 64 : index
      %get3A_84 = tpu.vector_load %arg7[%get3A_82, %get3A_83] {strides = array<i32>} : memref<2x128xi32, #tpu.memory_space<vmem>>, vector<1x16xi32>,
      %get3A_85 = vector.shape_cast %get3A_84 : vector<1x16xi32> to vector<16xi32>
      %add3A_86 = arith.constant 54 : i32
      %add3A_87 = arith.addi %mul3A_2, %add3A_86 : i32
      %add3A_88 = vector.broadcast %add3A_87 : i32 to vector<16xi32>
      %add3A_89 = arith.addi %get3A_85, %add3A_88 : vector<16xi32>
      %swap3A_90 = arith.constant 0 : i32
      %swap3A_91 = arith.index_cast %swap3A_90 : i32 to index
      %swap3A_92 = arith.constant 64 : index
      %swap3A_93 = tpu.vector_load %arg8[%swap3A_91, %swap3A_92] {strides = array<i32>} : memref<2x128xi32, #tpu.memory_space<vmem>>, vector<1x16xi32>,
      %swap3A_94 = vector.shape_cast %swap3A_93 : vector<1x16xi32> to vector<16xi32>
      %swap3A_95 = vector.shape_cast %add3A_89 : vector<16xi32> to vector<1x16xi32>
      tpu.vector_store %arg8[%swap3A_91, %swap3A_92], %swap3A_95 {strides = array<i32>} : memref<2x128xi32, #tpu.memory_space<vmem>>, vector<1x16xi32>,
      %get3A_96 = arith.constant 0 : i32
      %get3A_97 = arith.index_cast %get3A_96 : i32 to index
      %get3A_98 = arith.constant 80 : index
      %get3A_99 = tpu.vector_load %arg7[%get3A_97, %get3A_98] {strides = array<i32>} : memref<2x128xi32, #tpu.memory_space<vmem>>, vector<1x16xi32>,
      %get3A_100 = vector.shape_cast %get3A_99 : vector<1x16xi32> to vector<16xi32>
      %add3A_101 = arith.constant 54 : i32
      %add3A_102 = arith.addi %mul3A_2, %add3A_101 : i32
      %add3A_103 = vector.broadcast %add3A_102 : i32 to vector<16xi32>
      %add3A_104 = arith.addi %get3A_100, %add3A_103 : vector<16xi32>
      %swap3A_105 = arith.constant 0 : i32
      %swap3A_106 = arith.index_cast %swap3A_105 : i32 to index
      %swap3A_107 = arith.constant 80 : index
      %swap3A_108 = tpu.vector_load %arg8[%swap3A_106, %swap3A_107] {strides = array<i32>} : memref<2x128xi32, #tpu.memory_space<vmem>>, vector<1x16xi32>,
      %swap3A_109 = vector.shape_cast %swap3A_108 : vector<1x16xi32> to vector<16xi32>
      %swap3A_110 = vector.shape_cast %add3A_104 : vector<16xi32> to vector<1x16xi32>
      tpu.vector_store %arg8[%swap3A_106, %swap3A_107], %swap3A_110 {strides = array<i32>} : memref<2x128xi32, #tpu.memory_space<vmem>>, vector<1x16xi32>,
      %get3A_111 = arith.constant 0 : i32
      %get3A_112 = arith.index_cast %get3A_111 : i32 to index
      %get3A_113 = arith.constant 96 : index
      %get3A_114 = tpu.vector_load %arg7[%get3A_112, %get3A_113] {strides = array<i32>} : memref<2x128xi32, #tpu.memory_space<vmem>>, vector<1x16xi32>,
      %get3A_115 = vector.shape_cast %get3A_114 : vector<1x16xi32> to vector<16xi32>
      %add3A_116 = arith.constant 81 : i32
      %add3A_117 = arith.addi %mul3A_2, %add3A_116 : i32
      %add3A_118 = vector.broadcast %add3A_117 : i32 to vector<16xi32>
      %add3A_119 = arith.addi %get3A_115, %add3A_118 : vector<16xi32>
      %swap3A_120 = arith.constant 0 : i32
      %swap3A_121 = arith.index_cast %swap3A_120 : i32 to index
      %swap3A_122 = arith.constant 96 : index
      %swap3A_123 = tpu.vector_load %arg8[%swap3A_121, %swap3A_122] {strides = array<i32>} : memref<2x128xi32, #tpu.memory_space<vmem>>, vector<1x16xi32>,
      %swap3A_124 = vector.shape_cast %swap3A_123 : vector<1x16xi32> to vector<16xi32>
      %swap3A_125 = vector.shape_cast %add3A_119 : vector<16xi32> to vector<1x16xi32>
      tpu.vector_store %arg8[%swap3A_121, %swap3A_122], %swap3A_125 {strides = array<i32>} : memref<2x128xi32, #tpu.memory_space<vmem>>, vector<1x16xi32>,
      %get3A_126 = arith.constant 0 : i32
      %get3A_127 = arith.index_cast %get3A_126 : i32 to index
      %get3A_128 = arith.constant 112 : index
      %get3A_129 = tpu.vector_load %arg7[%get3A_127, %get3A_128] {strides = array<i32>} : memref<2x128xi32, #tpu.memory_space<vmem>>, vector<1x16xi32>,
      %get3A_130 = vector.shape_cast %get3A_129 : vector<1x16xi32> to vector<16xi32>
      %add3A_131 = arith.constant 81 : i32
      %add3A_132 = arith.addi %mul3A_2, %add3A_131 : i32
      %add3A_133 = vector.broadcast %add3A_132 : i32 to vector<16xi32>
      %add3A_134 = arith.addi %get3A_130, %add3A_133 : vector<16xi32>
      %swap3A_135 = arith.constant 0 : i32
      %swap3A_136 = arith.index_cast %swap3A_135 : i32 to index
      %swap3A_137 = arith.constant 112 : index
      %swap3A_138 = tpu.vector_load %arg8[%swap3A_136, %swap3A_137] {strides = array<i32>} : memref<2x128xi32, #tpu.memory_space<vmem>>, vector<1x16xi32>,
      %swap3A_139 = vector.shape_cast %swap3A_138 : vector<1x16xi32> to vector<16xi32>
      %swap3A_140 = vector.shape_cast %add3A_134 : vector<16xi32> to vector<1x16xi32>
      tpu.vector_store %arg8[%swap3A_136, %swap3A_137], %swap3A_140 {strides = array<i32>} : memref<2x128xi32, #tpu.memory_space<vmem>>, vector<1x16xi32>,
      %get3A_141 = arith.constant 1 : i32
      %get3A_142 = arith.index_cast %get3A_141 : i32 to index
      %get3A_143 = arith.constant 0 : index
      %get3A_144 = tpu.vector_load %arg7[%get3A_142, %get3A_143] {strides = array<i32>} : memref<2x128xi32, #tpu.memory_space<vmem>>, vector<1x16xi32>,
      %get3A_145 = vector.shape_cast %get3A_144 : vector<1x16xi32> to vector<16xi32>
      %add3A_146 = arith.constant 108 : i32
      %add3A_147 = arith.addi %mul3A_2, %add3A_146 : i32
      %add3A_148 = vector.broadcast %add3A_147 : i32 to vector<16xi32>
      %add3A_149 = arith.addi %get3A_145, %add3A_148 : vector<16xi32>
      %swap3A_150 = arith.constant 1 : i32
      %swap3A_151 = arith.index_cast %swap3A_150 : i32 to index
      %swap3A_152 = arith.constant 0 : index
      %swap3A_153 = tpu.vector_load %arg8[%swap3A_151, %swap3A_152] {strides = array<i32>} : memref<2x128xi32, #tpu.memory_space<vmem>>, vector<1x16xi32>,
      %swap3A_154 = vector.shape_cast %swap3A_153 : vector<1x16xi32> to vector<16xi32>
      %swap3A_155 = vector.shape_cast %add3A_149 : vector<16xi32> to vector<1x16xi32>
      tpu.vector_store %arg8[%swap3A_151, %swap3A_152], %swap3A_155 {strides = array<i32>} : memref<2x128xi32, #tpu.memory_space<vmem>>, vector<1x16xi32>,
      %get3A_156 = arith.constant 1 : i32
      %get3A_157 = arith.index_cast %get3A_156 : i32 to index
      %get3A_158 = arith.constant 16 : index
      %get3A_159 = tpu.vector_load %arg7[%get3A_157, %get3A_158] {strides = array<i32>} : memref<2x128xi32, #tpu.memory_space<vmem>>, vector<1x16xi32>,
      %get3A_160 = vector.shape_cast %get3A_159 : vector<1x16xi32> to vector<16xi32>
      %add3A_161 = arith.constant 108 : i32
      %add3A_162 = arith.addi %mul3A_2, %add3A_161 : i32
      %add3A_163 = vector.broadcast %add3A_162 : i32 to vector<16xi32>
      %add3A_164 = arith.addi %get3A_160, %add3A_163 : vector<16xi32>
      %swap3A_165 = arith.constant 1 : i32
      %swap3A_166 = arith.index_cast %swap3A_165 : i32 to index
      %swap3A_167 = arith.constant 16 : index
      %swap3A_168 = tpu.vector_load %arg8[%swap3A_166, %swap3A_167] {strides = array<i32>} : memref<2x128xi32, #tpu.memory_space<vmem>>, vector<1x16xi32>,
      %swap3A_169 = vector.shape_cast %swap3A_168 : vector<1x16xi32> to vector<16xi32>
      %swap3A_170 = vector.shape_cast %add3A_164 : vector<16xi32> to vector<1x16xi32>
      tpu.vector_store %arg8[%swap3A_166, %swap3A_167], %swap3A_170 {strides = array<i32>} : memref<2x128xi32, #tpu.memory_space<vmem>>, vector<1x16xi32>,
      %get3A_171 = arith.constant 1 : i32
      %get3A_172 = arith.index_cast %get3A_171 : i32 to index
      %get3A_173 = arith.constant 32 : index
      %get3A_174 = tpu.vector_load %arg7[%get3A_172, %get3A_173] {strides = array<i32>} : memref<2x128xi32, #tpu.memory_space<vmem>>, vector<1x16xi32>,
      %get3A_175 = vector.shape_cast %get3A_174 : vector<1x16xi32> to vector<16xi32>
      %add3A_176 = arith.constant 135 : i32
      %add3A_177 = arith.addi %mul3A_2, %add3A_176 : i32
      %add3A_178 = vector.broadcast %add3A_177 : i32 to vector<16xi32>
      %add3A_179 = arith.addi %get3A_175, %add3A_178 : vector<16xi32>
      %swap3A_180 = arith.constant 1 : i32
      %swap3A_181 = arith.index_cast %swap3A_180 : i32 to index
      %swap3A_182 = arith.constant 32 : index
      %swap3A_183 = tpu.vector_load %arg8[%swap3A_181, %swap3A_182] {strides = array<i32>} : memref<2x128xi32, #tpu.memory_space<vmem>>, vector<1x16xi32>,
      %swap3A_184 = vector.shape_cast %swap3A_183 : vector<1x16xi32> to vector<16xi32>
      %swap3A_185 = vector.shape_cast %add3A_179 : vector<16xi32> to vector<1x16xi32>
      tpu.vector_store %arg8[%swap3A_181, %swap3A_182], %swap3A_185 {strides = array<i32>} : memref<2x128xi32, #tpu.memory_space<vmem>>, vector<1x16xi32>,
      %get3A_186 = arith.constant 1 : i32
      %get3A_187 = arith.index_cast %get3A_186 : i32 to index
      %get3A_188 = arith.constant 48 : index
      %get3A_189 = tpu.vector_load %arg7[%get3A_187, %get3A_188] {strides = array<i32>} : memref<2x128xi32, #tpu.memory_space<vmem>>, vector<1x16xi32>,
      %get3A_190 = vector.shape_cast %get3A_189 : vector<1x16xi32> to vector<16xi32>
      %add3A_191 = arith.constant 135 : i32
      %add3A_192 = arith.addi %mul3A_2, %add3A_191 : i32
      %add3A_193 = vector.broadcast %add3A_192 : i32 to vector<16xi32>
      %add3A_194 = arith.addi %get3A_190, %add3A_193 : vector<16xi32>
      %swap3A_195 = arith.constant 1 : i32
      %swap3A_196 = arith.index_cast %swap3A_195 : i32 to index
      %swap3A_197 = arith.constant 48 : index
      %swap3A_198 = tpu.vector_load %arg8[%swap3A_196, %swap3A_197] {strides = array<i32>} : memref<2x128xi32, #tpu.memory_space<vmem>>, vector<1x16xi32>,
      %swap3A_199 = vector.shape_cast %swap3A_198 : vector<1x16xi32> to vector<16xi32>
      %swap3A_200 = vector.shape_cast %add3A_194 : vector<16xi32> to vector<1x16xi32>
      tpu.vector_store %arg8[%swap3A_196, %swap3A_197], %swap3A_200 {strides = array<i32>} : memref<2x128xi32, #tpu.memory_space<vmem>>, vector<1x16xi32>,
      %get3A_201 = arith.constant 1 : i32
      %get3A_202 = arith.index_cast %get3A_201 : i32 to index
      %get3A_203 = arith.constant 64 : index
      %get3A_204 = tpu.vector_load %arg7[%get3A_202, %get3A_203] {strides = array<i32>} : memref<2x128xi32, #tpu.memory_space<vmem>>, vector<1x16xi32>,
      %get3A_205 = vector.shape_cast %get3A_204 : vector<1x16xi32> to vector<16xi32>
      %add3A_206 = arith.constant 162 : i32
      %add3A_207 = arith.addi %mul3A_2, %add3A_206 : i32
      %add3A_208 = vector.broadcast %add3A_207 : i32 to vector<16xi32>
      %add3A_209 = arith.addi %get3A_205, %add3A_208 : vector<16xi32>
      %swap3A_210 = arith.constant 1 : i32
      %swap3A_211 = arith.index_cast %swap3A_210 : i32 to index
      %swap3A_212 = arith.constant 64 : index
      %swap3A_213 = tpu.vector_load %arg8[%swap3A_211, %swap3A_212] {strides = array<i32>} : memref<2x128xi32, #tpu.memory_space<vmem>>, vector<1x16xi32>,
      %swap3A_214 = vector.shape_cast %swap3A_213 : vector<1x16xi32> to vector<16xi32>
      %swap3A_215 = vector.shape_cast %add3A_209 : vector<16xi32> to vector<1x16xi32>
      tpu.vector_store %arg8[%swap3A_211, %swap3A_212], %swap3A_215 {strides = array<i32>} : memref<2x128xi32, #tpu.memory_space<vmem>>, vector<1x16xi32>,
      %get3A_216 = arith.constant 1 : i32
      %get3A_217 = arith.index_cast %get3A_216 : i32 to index
      %get3A_218 = arith.constant 80 : index
      %get3A_219 = tpu.vector_load %arg7[%get3A_217, %get3A_218] {strides = array<i32>} : memref<2x128xi32, #tpu.memory_space<vmem>>, vector<1x16xi32>,
      %get3A_220 = vector.shape_cast %get3A_219 : vector<1x16xi32> to vector<16xi32>
      %add3A_221 = arith.constant 162 : i32
      %add3A_222 = arith.addi %mul3A_2, %add3A_221 : i32
      %add3A_223 = vector.broadcast %add3A_222 : i32 to vector<16xi32>
      %add3A_224 = arith.addi %get3A_220, %add3A_223 : vector<16xi32>
      %swap3A_225 = arith.constant 1 : i32
      %swap3A_226 = arith.index_cast %swap3A_225 : i32 to index
      %swap3A_227 = arith.constant 80 : index
      %swap3A_228 = tpu.vector_load %arg8[%swap3A_226, %swap3A_227] {strides = array<i32>} : memref<2x128xi32, #tpu.memory_space<vmem>>, vector<1x16xi32>,
      %swap3A_229 = vector.shape_cast %swap3A_228 : vector<1x16xi32> to vector<16xi32>
      %swap3A_230 = vector.shape_cast %add3A_224 : vector<16xi32> to vector<1x16xi32>
      tpu.vector_store %arg8[%swap3A_226, %swap3A_227], %swap3A_230 {strides = array<i32>} : memref<2x128xi32, #tpu.memory_space<vmem>>, vector<1x16xi32>,
      %get3A_231 = arith.constant 1 : i32
      %get3A_232 = arith.index_cast %get3A_231 : i32 to index
      %get3A_233 = arith.constant 96 : index
      %get3A_234 = tpu.vector_load %arg7[%get3A_232, %get3A_233] {strides = array<i32>} : memref<2x128xi32, #tpu.memory_space<vmem>>, vector<1x16xi32>,
      %get3A_235 = vector.shape_cast %get3A_234 : vector<1x16xi32> to vector<16xi32>
      %add3A_236 = arith.constant 189 : i32
      %add3A_237 = arith.addi %mul3A_2, %add3A_236 : i32
      %add3A_238 = vector.broadcast %add3A_237 : i32 to vector<16xi32>
      %add3A_239 = arith.addi %get3A_235, %add3A_238 : vector<16xi32>
      %swap3A_240 = arith.constant 1 : i32
      %swap3A_241 = arith.index_cast %swap3A_240 : i32 to index
      %swap3A_242 = arith.constant 96 : index
      %swap3A_243 = tpu.vector_load %arg8[%swap3A_241, %swap3A_242] {strides = array<i32>} : memref<2x128xi32, #tpu.memory_space<vmem>>, vector<1x16xi32>,
      %swap3A_244 = vector.shape_cast %swap3A_243 : vector<1x16xi32> to vector<16xi32>
      %swap3A_245 = vector.shape_cast %add3A_239 : vector<16xi32> to vector<1x16xi32>
      tpu.vector_store %arg8[%swap3A_241, %swap3A_242], %swap3A_245 {strides = array<i32>} : memref<2x128xi32, #tpu.memory_space<vmem>>, vector<1x16xi32>,
      %get3A_246 = arith.constant 1 : i32
      %get3A_247 = arith.index_cast %get3A_246 : i32 to index
      %get3A_248 = arith.constant 112 : index
      %get3A_249 = tpu.vector_load %arg7[%get3A_247, %get3A_248] {strides = array<i32>} : memref<2x128xi32, #tpu.memory_space<vmem>>, vector<1x16xi32>,
      %get3A_250 = vector.shape_cast %get3A_249 : vector<1x16xi32> to vector<16xi32>
      %add3A_251 = arith.constant 189 : i32
      %add3A_252 = arith.addi %mul3A_2, %add3A_251 : i32
      %add3A_253 = vector.broadcast %add3A_252 : i32 to vector<16xi32>
      %add3A_254 = arith.addi %get3A_250, %add3A_253 : vector<16xi32>
      %swap3A_255 = arith.constant 1 : i32
      %swap3A_256 = arith.index_cast %swap3A_255 : i32 to index
      %swap3A_257 = arith.constant 112 : index
      %swap3A_258 = tpu.vector_load %arg8[%swap3A_256, %swap3A_257] {strides = array<i32>} : memref<2x128xi32, #tpu.memory_space<vmem>>, vector<1x16xi32>,
      %swap3A_259 = vector.shape_cast %swap3A_258 : vector<1x16xi32> to vector<16xi32>
      %swap3A_260 = vector.shape_cast %add3A_254 : vector<16xi32> to vector<1x16xi32>
      tpu.vector_store %arg8[%swap3A_256, %swap3A_257], %swap3A_260 {strides = array<i32>} : memref<2x128xi32, #tpu.memory_space<vmem>>, vector<1x16xi32>,
      %run_scoped3A_261 = arith.constant 0 : i32
      %run_scoped3A_262 = arith.constant 0 : i32
      "tpu.region"() ({
        %run_scoped3A_267 = tpu.sem_alloc : memref<!tpu.dma_semaphore, #tpu.memory_space<semaphore_mem>>
        %dma_start3A = arith.constant 0 : i32
        %dma_start3A_268 = arith.constant 0 : i32
        %dma_start3A_269 = tpu.memref_slice %arg9[%run_scoped3A_261, %dma_start3A, %dma_start3A_268] : memref<2x128x128xf32, #tpu.memory_space<vmem>> -> memref<1x128x128xf32, #tpu.memory_space<vmem>>
        %dma_start3A_270 = tpu.memref_squeeze %dma_start3A_269 : memref<1x128x128xf32, #tpu.memory_space<vmem>> -> memref<128x128xf32, #tpu.memory_space<vmem>>
        %dma_start3A_271 = arith.constant 0 : i32
        %dma_start3A_272 = tpu.memref_slice %arg8[%run_scoped3A_262, %dma_start3A_271] : memref<2x128xi32, #tpu.memory_space<vmem>> -> memref<1x128xi32, #tpu.memory_space<vmem>>
        %dma_start3A_273 = tpu.memref_squeeze %dma_start3A_272 : memref<1x128xi32, #tpu.memory_space<vmem>> -> memref<128xi32, #tpu.memory_space<vmem>>
        %dma_start3A_274 = arith.constant 0 : i32
        %dma_start3A_275 = arith.constant 0 : i32
        %dma_start3A_276 = tpu.memref_slice %arg11[%dma_start3A_274, %dma_start3A_275] : memref<3456x128xf32, #tpu.memory_space<vmem_shared>> -> memref<3456x128xf32, #tpu.memory_space<vmem_shared>>
        tpu.enqueue_indirect_dma source(%dma_start3A_270 : memref<128x128xf32, #tpu.memory_space<vmem>>) target(%dma_start3A_276 : memref<3456x128xf32, #tpu.memory_space<vmem_shared>>) offsets(%dma_start3A_273 : memref<128xi32, #tpu.memory_space<vmem>>) semaphore(%run_scoped3A_267 : memref<!tpu.dma_semaphore, #tpu.memory_space<semaphore_mem>>) {add = true}
        %dma_wait3A = arith.constant 0 : i32
        %dma_wait3A_277 = arith.constant 0 : i32
        %dma_wait3A_278 = tpu.memref_slice %arg9[%run_scoped3A_261, %dma_wait3A, %dma_wait3A_277] : memref<2x128x128xf32, #tpu.memory_space<vmem>> -> memref<1x128x128xf32, #tpu.memory_space<vmem>>
        %dma_wait3A_279 = tpu.memref_squeeze %dma_wait3A_278 : memref<1x128x128xf32, #tpu.memory_space<vmem>> -> memref<128x128xf32, #tpu.memory_space<vmem>>
        %dma_wait3A_280 = arith.constant 0 : i32
        %dma_wait3A_281 = tpu.memref_slice %arg8[%run_scoped3A_262, %dma_wait3A_280] : memref<2x128xi32, #tpu.memory_space<vmem>> -> memref<1x128xi32, #tpu.memory_space<vmem>>
        %dma_wait3A_282 = tpu.memref_squeeze %dma_wait3A_281 : memref<1x128xi32, #tpu.memory_space<vmem>> -> memref<128xi32, #tpu.memory_space<vmem>>
        %dma_wait3A_283 = arith.constant 0 : i32
        %dma_wait3A_284 = arith.constant 0 : i32
        %dma_wait3A_285 = tpu.memref_slice %arg11[%dma_wait3A_283, %dma_wait3A_284] : memref<3456x128xf32, #tpu.memory_space<vmem_shared>> -> memref<3456x128xf32, #tpu.memory_space<vmem_shared>>
        tpu.wait_indirect_dma semaphore(%run_scoped3A_267 : memref<!tpu.dma_semaphore, #tpu.memory_space<semaphore_mem>>) src(%dma_wait3A_279 : memref<128x128xf32, #tpu.memory_space<vmem>>) dst(%dma_wait3A_285 : memref<3456x128xf32, #tpu.memory_space<vmem_shared>>)
        tpu.yield
      }) : () -> ()
      %run_scoped3A_263 = arith.constant 1 : i32
      %run_scoped3A_264 = arith.constant 1 : i32
      "tpu.region"() ({
        %run_scoped3A_267 = tpu.sem_alloc : memref<!tpu.dma_semaphore, #tpu.memory_space<semaphore_mem>>
        %dma_start3A = arith.constant 0 : i32
        %dma_start3A_268 = arith.constant 0 : i32
        %dma_start3A_269 = tpu.memref_slice %arg9[%run_scoped3A_263, %dma_start3A, %dma_start3A_268] : memref<2x128x128xf32, #tpu.memory_space<vmem>> -> memref<1x128x128xf32, #tpu.memory_space<vmem>>
        %dma_start3A_270 = tpu.memref_squeeze %dma_start3A_269 : memref<1x128x128xf32, #tpu.memory_space<vmem>> -> memref<128x128xf32, #tpu.memory_space<vmem>>
        %dma_start3A_271 = arith.constant 0 : i32
        %dma_start3A_272 = tpu.memref_slice %arg8[%run_scoped3A_264, %dma_start3A_271] : memref<2x128xi32, #tpu.memory_space<vmem>> -> memref<1x128xi32, #tpu.memory_space<vmem>>
        %dma_start3A_273 = tpu.memref_squeeze %dma_start3A_272 : memref<1x128xi32, #tpu.memory_space<vmem>> -> memref<128xi32, #tpu.memory_space<vmem>>
        %dma_start3A_274 = arith.constant 0 : i32
        %dma_start3A_275 = arith.constant 0 : i32
        %dma_start3A_276 = tpu.memref_slice %arg11[%dma_start3A_274, %dma_start3A_275] : memref<3456x128xf32, #tpu.memory_space<vmem_shared>> -> memref<3456x128xf32, #tpu.memory_space<vmem_shared>>
        tpu.enqueue_indirect_dma source(%dma_start3A_270 : memref<128x128xf32, #tpu.memory_space<vmem>>) target(%dma_start3A_276 : memref<3456x128xf32, #tpu.memory_space<vmem_shared>>) offsets(%dma_start3A_273 : memref<128xi32, #tpu.memory_space<vmem>>) semaphore(%run_scoped3A_267 : memref<!tpu.dma_semaphore, #tpu.memory_space<semaphore_mem>>) {add = true}
        %dma_wait3A = arith.constant 0 : i32
        %dma_wait3A_277 = arith.constant 0 : i32
        %dma_wait3A_278 = tpu.memref_slice %arg9[%run_scoped3A_263, %dma_wait3A, %dma_wait3A_277] : memref<2x128x128xf32, #tpu.memory_space<vmem>> -> memref<1x128x128xf32, #tpu.memory_space<vmem>>
        %dma_wait3A_279 = tpu.memref_squeeze %dma_wait3A_278 : memref<1x128x128xf32, #tpu.memory_space<vmem>> -> memref<128x128xf32, #tpu.memory_space<vmem>>
        %dma_wait3A_280 = arith.constant 0 : i32
        %dma_wait3A_281 = tpu.memref_slice %arg8[%run_scoped3A_264, %dma_wait3A_280] : memref<2x128xi32, #tpu.memory_space<vmem>> -> memref<1x128xi32, #tpu.memory_space<vmem>>
        %dma_wait3A_282 = tpu.memref_squeeze %dma_wait3A_281 : memref<1x128xi32, #tpu.memory_space<vmem>> -> memref<128xi32, #tpu.memory_space<vmem>>
        %dma_wait3A_283 = arith.constant 0 : i32
        %dma_wait3A_284 = arith.constant 0 : i32
        %dma_wait3A_285 = tpu.memref_slice %arg11[%dma_wait3A_283, %dma_wait3A_284] : memref<3456x128xf32, #tpu.memory_space<vmem_shared>> -> memref<3456x128xf32, #tpu.memory_space<vmem_shared>>
        tpu.wait_indirect_dma semaphore(%run_scoped3A_267 : memref<!tpu.dma_semaphore, #tpu.memory_space<semaphore_mem>>) src(%dma_wait3A_279 : memref<128x128xf32, #tpu.memory_space<vmem>>) dst(%dma_wait3A_285 : memref<3456x128xf32, #tpu.memory_space<vmem_shared>>)
        tpu.yield
      }) : () -> ()
      %mul3A_265 = arith.constant 216 : i32
      %mul3A_266 = arith.muli %add3A_19, %mul3A_265 : i32
      "tpu.region"() ({
        %run_scoped3A_267 = tpu.sem_alloc : memref<!tpu.dma_semaphore, #tpu.memory_space<semaphore_mem>>
        %dma_start3A = arith.constant 0 : i32
        %dma_start3A_268 = tpu.memref_slice %arg5[%mul3A_266, %dma_start3A] : memref<276480x128xf32, #tpu.memory_space<hbm>> -> memref<216x128xf32, #tpu.memory_space<hbm>>
        %dma_start3A_269 = arith.constant 0 : i32
        %dma_start3A_270 = tpu.memref_slice %arg11[%mul3A_2, %dma_start3A_269] : memref<3456x128xf32, #tpu.memory_space<vmem_shared>> -> memref<216x128xf32, #tpu.memory_space<vmem_shared>>
        tpu.enqueue_dma source(%dma_start3A_270 : memref<216x128xf32, #tpu.memory_space<vmem_shared>>) target(%dma_start3A_268 : memref<216x128xf32, #tpu.memory_space<hbm>>) target_semaphore(%run_scoped3A_267 : memref<!tpu.dma_semaphore, #tpu.memory_space<semaphore_mem>>)
        %dma_wait3A = arith.constant 0 : i32
        %dma_wait3A_271 = tpu.memref_slice %arg5[%mul3A_266, %dma_wait3A] : memref<276480x128xf32, #tpu.memory_space<hbm>> -> memref<216x128xf32, #tpu.memory_space<hbm>>
        %dma_wait3A_272 = arith.constant 0 : i32
        %dma_wait3A_273 = tpu.memref_slice %arg11[%mul3A_2, %dma_wait3A_272] : memref<3456x128xf32, #tpu.memory_space<vmem_shared>> -> memref<216x128xf32, #tpu.memory_space<vmem_shared>>
        tpu.wait_dma2 semaphore(%run_scoped3A_267 : memref<!tpu.dma_semaphore, #tpu.memory_space<semaphore_mem>>) src(%dma_wait3A_273 : memref<216x128xf32, #tpu.memory_space<vmem_shared>>) dst(%dma_wait3A_271 : memref<216x128xf32, #tpu.memory_space<hbm>>)
        tpu.yield
      }) : () -> ()
    }
    %scan3A_11 = arith.constant 40 : i32
    return
  }
}

module attributes {stable_mosaic.version = 14 : i64} {
  func.func @_tc_matmul_body(%arg0: i32, %arg1: memref<512x3456xf32, #tpu.memory_space<vmem>>, %arg2: memref<3456x128xf32, #tpu.memory_space<vmem>>, %arg3: memref<512x128xf32, #tpu.memory_space<vmem>>) attributes {dimension_semantics = [#tpu.dimension_semantics<arbitrary>], iteration_bounds = array<i64: 20>, scalar_prefetch = 0 : i64, scratch_operands = 0 : i64, tpu.core_type = #tpu.core_type<tc>, window_params = [{transform_indices = @transform_0, window_bounds = array<i64: 512, 3456>}, {pipeline_mode = #tpu.pipeline_mode<synchronous>, transform_indices = @transform_1, window_bounds = array<i64: 3456, 128>}, {transform_indices = @transform_2, window_bounds = array<i64: 512, 128>}]} {
    %get3A = arith.constant 0 : index
    %get3A_0 = arith.constant 0 : index
    %get3A_1 = vector.load %arg1[%get3A, %get3A_0] : memref<512x3456xf32, #tpu.memory_space<vmem>>, vector<512x3456xf32>
    %get3A_2 = arith.constant 0 : index
    %get3A_3 = arith.constant 0 : index
    %get3A_4 = vector.load %arg2[%get3A_2, %get3A_3] : memref<3456x128xf32, #tpu.memory_space<vmem>>, vector<3456x128xf32>
    %dot_general3A = arith.constant dense<0.000000e+00> : vector<512x128xf32>
    %dot_general3A_5 = tpu.matmul %get3A_1, %get3A_4, %dot_general3A {dimension_numbers = #tpu.dot_dimension_numbers<[1], [0], [0], [1], [0, 0, 1, 1], [], []>, transpose_lhs_hint = false} : vector<512x3456xf32>, vector<3456x128xf32>, vector<512x128xf32> -> vector<512x128xf32>
    %swap3A = arith.constant 0 : index
    %swap3A_6 = arith.constant 0 : index
    %swap3A_7 = vector.load %arg3[%swap3A, %swap3A_6] : memref<512x128xf32, #tpu.memory_space<vmem>>, vector<512x128xf32>
    tpu.vector_store %arg3[%swap3A, %swap3A_6], %dot_general3A_5 {strides = array<i32>} : memref<512x128xf32, #tpu.memory_space<vmem>>, vector<512x128xf32>,
    return
  }
  func.func @transform_0(%arg0: i32) -> (i32, i32) {
    %c0_i32 = arith.constant 0 : i32
    %c0_i32_0 = arith.constant 0 : i32
    return %arg0, %c0_i32 : i32, i32
  }
  func.func @transform_1(%arg0: i32) -> (i32, i32) {
    %c0_i32 = arith.constant 0 : i32
    %c0_i32_0 = arith.constant 0 : i32
    %c0_i32_1 = arith.constant 0 : i32
    return %c0_i32, %c0_i32_0 : i32, i32
  }
  func.func @transform_2(%arg0: i32) -> (i32, i32) {
    %c0_i32 = arith.constant 0 : i32
    %c0_i32_0 = arith.constant 0 : i32
    return %arg0, %c0_i32 : i32, i32
  }
}

</mosaic_0001>

<sc_bundles>
// kernel: kernel.4.cloned.1.call-start
scs
__scs_entry_jumppad:
0x0: {  	(pc) =	sbr.rel $0x88, $3  }
0x1: {  	(tag) =	ssettag $0x0;
	lr =	simm.s32 $0x1  }
0x2: {  	[smem:$0x3F9D] =	sst lr;
	_ =	strace $0xD0000000  }
0x3: {  	_ = 	snop  }
0x4: {  	_ = 	snop  }
0x5: {  	_ = 	snop  }
0x6: {  	_ = 	snop  }
0x7: {  	_ = 	snop  }
__scs_overlays_trampoline_lowered:
0x8: {  	[smem:$0x3FAC] =	sst s0  }
0x9: {  	[smem:$0x3FAD] =	sst s1  }
0xa: {  	[smem:$0x3FAE] =	sst s2  }
0xb: {  	[smem:$0x3FAF] =	sst s3  }
0xc: {  	[smem:$0x3FB0] =	sst s4  }
0xd: {  	[smem:$0x3FB1] =	sst s5  }
0xe: {  	[smem:$0x3FB2] =	sst s6  }
0xf: {  	[smem:$0x3FB3] =	sst s7  }
0x10: {  	[smem:$0x3FB4] =	sst s8  }
0x11: {  	[smem:$0x3FB5] =	sst s9;
	s0 =	simm.s32 @!p0 $0x0  }
0x12: {  	s1 =	sld [smem:$0x3F9B];
	s0 =	simm.s32 @p0 $0x1  }
0x13: {  	[smem:$0x3FB6] =	sst s0;
	s0 =	simm.s32 @!p1 $0x0  }
0x14: {  	s2 =	sld [smem:$0x3F9A];
	s0 =	simm.s32 @p1 $0x1  }
0x15: {  	[smem:$0x3FB7] =	sst s0;
	s0 =	simm.s32 @!p2 $0x0  }
0x16: {  	s3 =	sld [smem:$0x3FDB];
	s0 =	simm.s32 @p2 $0x1  }
0x17: {  	s4 =	simm.s32 $0x1BF5;
	[smem:$0x3FB9] =	sst s0  }
0x18: {  	s0 =	sld [smem:$0x3F9C];
	_ =	swait.ge [sflag:s4], $0x0  }
0x19: {  	s7 =	sld [smem:$0x3F9D]  }
0x1a: {  	s8 =	sadd.s32 $0xFFFFE003, lr  }
0x1b: {  	s9 =	sadd.s32 $0xFFFFFEF7, lr;
	s5 =	simm.s32 $0xFFFFFFFF;
	p2 =	slt.u32 s8, $0xFFFFF086  }
0x1c: {  	p1 =	slt.u32 s9, $0xF7A;
	s5 =	simm.s32 @!p2 $0x0  }
0x1d: {  	s5 =	simm.s32 @p1 $0x1;
	p0 =	seq.s32 s7, s2  }
0x1e: {  	s7 =	smul.u32 @!p0 $0xF7A, s2;
	p2 =	seq.s32 @!p0 s5, $0x0  }
0x1f: {  	s9 =	smul.u32 $0xF7A, s1;
	s8 =	simm.s32 @!p0 $0x1BF5;
	p2 =	por !p2, p0  }
0x20: {  	[sflag:s8] =	ssyncset.s32 @!p0 $0xFFFFF086;
	s6 =	sadd.s32 @!p0 s3, s7;
	s7 =	simm.s32 @!p0 $0x108  }
0x21: {  	s3 =	sadd.s32 s3, s9;
	s6 =	sadd.s32 @!p0 $0x88, s6;
	s7 =	simm.s32 @p2 $0x1082  }
0x22: {  	[simem:s7], [sflag:s8] =	dma.local @!p0 [hbm:s6], $0xF7A  }
0x23: {  	s9 =	sor.u32 $0xD0000000, s2;
	s6 =	simm.s32 $0x108;
	_ =	swait.ge @!p0 [sflag:s8], $0x0  }
0x24: {  	s3 =	sadd.s32 $0x88, s3;
	s6 =	simm.s32 @!p1 $0x1082;
	[sflag:s4] =	ssyncset.s32 $0xFFFFF086  }
0x25: {  	[simem:s6], [sflag:s4] =	dma.local [hbm:s3], $0xF7A  }
0x26: {  	[smem:$0x3F9D] =	sst s1;
	(tag) =	ssettag s2;
	_ =	strace s9  }
0x27: {  	s1 =	sld [smem:$0x3FAD]  }
0x28: {  	s2 =	sld [smem:$0x3FAE]  }
0x29: {  	s4 =	sld [smem:$0x3FB0]  }
0x2a: {  	p0 =	seq.s32 s5, $0x0;
	s5 =	sld [smem:$0x3FB1]  }
0x2b: {  	s6 =	sld [smem:$0x3FB2]  }
0x2c: {  	s7 =	sld [smem:$0x3FB3]  }
0x2d: {  	s3 =	simm.s32 $0x108;
	s8 =	sld [smem:$0x3FB4]  }
0x2e: {  	s3 =	simm.s32 @!p0 $0x1082;
	s9 =	sld [smem:$0x3FB5]  }
0x2f: {  	lr =	sadd.s32 s0, s3;
	s0 =	sld [smem:$0x3FAC]  }
0x30: {  	s3 =	sld [smem:$0x3FAF]  }
0x31: {  	[smem:$0x3FB8] =	sst s10  }
0x32: {  	s10 =	sld [smem:$0x3FB6];
	_ =	sdelay $0x3  }
0x33: {  	p0 =	seq.s32 s10, $0x1;
	s10 =	sld [smem:$0x3FB8];
	_ =	sdelay $0x3  }
0x34: {  	[smem:$0x3FB8] =	sst s10  }
0x35: {  	s10 =	sld [smem:$0x3FB7];
	_ =	sdelay $0x3  }
0x36: {  	p1 =	seq.s32 s10, $0x1;
	s10 =	sld [smem:$0x3FB8];
	_ =	sdelay $0x3  }
0x37: {  	[smem:$0x3FB8] =	sst s10  }
0x38: {  	s10 =	sld [smem:$0x3FB9]  }
0x39: {  	_ = 	snop;
	(pc) =	sbr.ind lr, $3  }
0x3a: {  	_ = 	snop  }
0x3b: {  	_ = 	snop  }
0x3c: {  	p2 =	seq.s32 s10, $0x1;
	s10 =	sld [smem:$0x3FB8]  }
0x3d: {  	_ =	shalt  }
0x3e: {  	_ =	shalt  }
0x3f: {  	_ =	shalt  }
0x40: {  	_ =	shalt  }
0x41: {  	_ =	shalt  }
0x42: {  	_ =	shalt  }
0x43: {  	_ =	shalt  }
0x44: {  	_ =	shalt  }
0x45: {  	_ =	shalt  }
0x46: {  	_ =	shalt  }
0x47: {  	_ =	shalt  }
0x48: {  	_ =	shalt  }
0x49: {  	_ =	shalt  }
0x4a: {  	_ =	shalt  }
0x4b: {  	_ =	shalt  }
0x4c: {  	_ =	shalt  }
0x4d: {  	_ =	shalt  }
0x4e: {  	_ =	shalt  }
0x4f: {  	_ =	shalt  }
0x50: {  	_ =	shalt  }
0x51: {  	_ =	shalt  }
0x52: {  	_ =	shalt  }
0x53: {  	_ =	shalt  }
0x54: {  	_ =	shalt  }
0x55: {  	_ =	shalt  }
0x56: {  	_ =	shalt  }
0x57: {  	_ =	shalt  }
0x58: {  	_ =	shalt  }
0x59: {  	_ =	shalt  }
0x5a: {  	_ =	shalt  }
0x5b: {  	_ =	shalt  }
0x5c: {  	_ =	shalt  }
0x5d: {  	_ =	shalt  }
0x5e: {  	_ =	shalt  }
0x5f: {  	_ =	shalt  }
0x60: {  	_ =	shalt  }
0x61: {  	_ =	shalt  }
0x62: {  	_ =	shalt  }
0x63: {  	_ =	shalt  }
0x64: {  	_ =	shalt  }
0x65: {  	_ =	shalt  }
0x66: {  	_ =	shalt  }
0x67: {  	_ =	shalt  }
0x68: {  	_ =	shalt  }
0x69: {  	_ =	shalt  }
0x6a: {  	_ =	shalt  }
0x6b: {  	_ =	shalt  }
0x6c: {  	_ =	shalt  }
0x6d: {  	_ =	shalt  }
0x6e: {  	_ =	shalt  }
0x6f: {  	_ =	shalt  }
0x70: {  	_ =	shalt  }
0x71: {  	_ =	shalt  }
0x72: {  	_ =	shalt  }
0x73: {  	_ =	shalt  }
0x74: {  	_ =	shalt  }
0x75: {  	_ =	shalt  }
0x76: {  	_ =	shalt  }
0x77: {  	_ =	shalt  }
0x78: {  	_ =	shalt  }
0x79: {  	_ =	shalt  }
0x7a: {  	_ =	shalt  }
0x7b: {  	_ =	shalt  }
0x7c: {  	_ =	shalt  }
0x7d: {  	_ =	shalt  }
0x7e: {  	_ =	shalt  }
0x7f: {  	_ =	shalt  }
0x80: {  	_ =	shalt  }
0x81: {  	_ =	shalt  }
0x82: {  	_ =	shalt  }
0x83: {  	_ =	shalt  }
0x84: {  	_ =	shalt  }
0x85: {  	_ =	shalt  }
0x86: {  	_ =	shalt  }
0x87: {  	_ =	shalt  }
.Lfunc_end0:
.L_simem_size_0:
called_computation_lowered:
.L_overlay_start_0:
0x88: {  	s2 =	sld [smem:$0x3FD9]  }
0x89: {  	s3 =	sld [smem:$0x3FFE];
	_ =	sdelay $0x1  }
0x8a: {  	s1 =	srdreg.scid  }
0x8b: {  	s0 =	sand.u32 $0x1, s1  }
0x8c: {  	s17 =	sshll.u32 s0, $0xA;
	s2 =	sadd.s32 s3, s2  }
0x8d: {  	s2 =	sadd.s32 s2, s17  }
0x8e: {  	[smem:$0x3FC4] =	sst s2  }
0x8f: {  	_ = 	snop  }
0x90: {  	s2 =	sld [smem:$0x3FC9]  }
0x91: {  	s18 =	sld [smem:$0x3FD0];
	(tm) =	ssettm $0x1  }
0x92: {  	s4 =	sld [smem:$0x3FFB];
	_ =	sdelay $0x3  }
0x93: {  	_ =	strace s4  }
0x94: {  	s4 =	sld [smem:$0x3FFC];
	_ =	sdelay $0x3  }
0x95: {  	_ =	strace s4  }
0x96: {  	s4 =	sld [smem:$0x3FFD];
	_ =	sdelay $0x3  }
0x97: {  	_ =	strace s4  }
0x98: {  	_ =	strace $0x8FFFFFFF  }
0x99: {  	s19 =	sld [smem:$0x3FDB];
	_ =	sdelay $0x1  }
0x9a: {  	s5 =	simm.s32 $_scs_section_size  }
0x9b: {  	s6 =	simm.s32 $_size__tile_overlayer_lowered;
	s7 =	simm.s32 $_tile_overlayer_lowered  }
0x9c: {  	s22 =	simm.s32 $0x1BFF;
	s21 =	sshll.u32 s7, $0x1;
	s4 =	sadd.s32 s5, s19  }
0x9d: {  	s8 =	simm.s32 $0x0;
	s20 =	sshll.u32 s6, $0x1;
	s6 =	sadd.s32 s21, s4  }
0x9e: {  	[timem:s8], [sflag:s22] =	dma.local [hbm:s6], s20  }
0x9f: {  	_ =	swait.ge [sflag:s22], s20  }
0xa0: {  	s5 =	ssub.s32 $0x0, s20;
	[sflag:s22] =	ssyncset.done $0x0  }
0xa1: {  	[sflag:s22] =	ssyncadd.s32 s5;
	_ =	sdelay $0x1  }
0xa2: {  	s23 =	simm.s32 $0x1B8B  }
0xa3: {  	_ =	swait.ge [sflag:s23], $0x1  }
0xa4: {  	[sflag:s23] =	ssyncset.done $0x0  }
0xa5: {  	s25 =	simm.s32 $0x1B8E;
	s24 =	sld [smem:$0x3FFE];
	[sflag:s23] =	ssyncadd.s32 $0xFFFFFFFF  }
0xa6: {  	s26 =	simm.s32 $execute0_lowered;
	[smem:$0x3FD2] =	sst s25  }
0xa7: {  	s6 =	sshll.u32 s26, $0x1;
	_ =	strace $0x80000046;
	[dreg:$0x1] =	wrdreg $0xFFFFFFFF  }
0xa8: {  	s28 =	simm.s32 $_size_execute0_lowered;
	s4 =	sadd.s32 s4, s6;
	[dreg:$0x0] =	wrdreg $0x0  }
0xa9: {  	s6 =	sshll.u32 s28, $0x1;
	[dreg:$0x2] =	wrdreg s4  }
0xaa: {  	[dreg:$0x3] =	wrdreg s6  }
0xab: {  	[dreg:$0x4] =	wrdreg $0xC0  }
0xac: {  	_ =	task [dreg:s8], $0x5FFFF  }
0xad: {  	[dreg:$0x1] =	wrdreg $0xFFFFFFFF  }
0xae: {  	[dreg:$0x0] =	wrdreg $0x60  }
0xaf: {  	[dreg:$0x2] =	wrdreg s2  }
0xb0: {  	[dreg:$0x3] =	wrdreg s18  }
0xb1: {  	[dreg:$0x4] =	wrdreg s24  }
0xb2: {  	[dreg:$0x5] =	wrdreg $0xEF000  }
0xb3: {  	[dreg:$0x6] =	wrdreg $0x9  }
0xb4: {  	_ =	task.clear_ibuf [dreg:s8], $0x7FFFF;
	_ =	strace $0x90000046  }
0xb5: {  	s29 =	simm.s32 $0x9;
	_ =	strace $0x80000048  }
0xb6: {  	_ =	swait.ge [sflag:s29], $0x1  }
0xb7: {  	[sflag:s29] =	ssyncadd.s32 $0xFFFFFFFF  }
0xb8: {  	_ =	strace $0x90000048  }
0xb9: {  	_ =	sfence  }
0xba: {  	s30 =	sld [smem:$0x0];
	_ =	sdelay $0x2  }
0xbb: {  	s31 =	sshll.u32 s1, $0xD;
	s1 =	sshrl.u32 s1, $0x2  }
0xbc: {  	s3 =	sand.u32 $0x4000, s31;
	s1 =	sadd.s32 s1, s30  }
0xbd: {  	s0 =	sor.u32 s3, s0;
	s1 =	sshll.u32 s1, $0x11  }
0xbe: {  	s0 =	sor.u32 s1, s0  }
0xbf: {  	s0 =	sadd.s32 $0x8F2B, s0  }
0xc0: {  	[sflag:s0] =	ssyncadd.remote.s32 $0x1  }
0xc1: {  	_ =	sfence.sel $0xFFFF  }
0xc2: {  	[dreg:$0x0] =	wrdreg $0xFFFFFFFF;
	(pc) =	sbr.abs _section_cstart, $3  }
0xc3: {  	[dreg:$0x1] =	wrdreg $0xFFFFFFFF  }
0xc4: {  	_ =	task.clear_ibuf [dreg:s8], $0x2FFFF;
	_ =	strace $0x9FFFFFFF  }
0xc5: {  	(tm) =	ssettm $0x7FFFFFFF  }
tec
execute0_lowered:
.L_overlay_start_1:
0x0: {  	(tag) =	ssettag $0x1  }
0x1: {  	s1 =	rddreg [dreg:$0x0]  }
0x2: {  	s9 =	rddreg [dreg:$0x1]  }
0x3: {  	s5 =	rddreg [dreg:$0x2];
	s2 =	stileid.u32  }
0x4: {  	s3 =	rddreg [dreg:$0x3];
	s10 =	smul.u32 $0xA00, s2  }
0x5: {  	s0 =	rddreg [dreg:$0x4];
	s7 =	smul.u32 $0x1B000, s2  }
0x6: {  	s6 =	srdreg.scid;
	s11 =	smul.u32 $0x43800, s2  }
0x7: {  	s4 =	simm.s32 $0x0;
	s6 =	sand.u32 $0x1, s6;
	s14 =	smul.u32 $0xD8, s2  }
0x8: {  	[smem:$0x7FF] =	sst s4;
	s31 =	sshll.u32 s2, $0x6;
	s30 =	smul.u32 $0x21C00, s6  }
0x9: {  	_ =	strace $0x80000047;
	s12 =	ssub.s32 $0x2, s6;
	s18 =	smul.u32 $0x500, s6  }
0xa: {  	s8 =	sadd.s32 s10, s5;
	s13 =	sshrl.u32 s12, $0x1;
	s7 =	sshrl.u32 s7, $0x2  }
0xb: {  	s11 =	sadd.s32 s11, s5;
	s29 =	sadd.s32 $0x1B, s14;
	s15 =	sadd.s32 $0x36, s14  }
0xc: {  	s16 =	sadd.s32 $0x51, s14;
	s17 =	sadd.s32 $0x6C, s14;
	s19 =	sadd.s32 $0x87, s14  }
0xd: {  	s20 =	sadd.s32 $0xA2, s14;
	s21 =	sadd.s32 $0xBD, s14;
	s9 =	sadd.s32 s10, s9  }
0xe: {  	s10 =	simm.s32 $0x1;
	v0 =	vmov s14;
	s14 =	simm.s32 $0x4300;
	s12 =	ssub.s32 s12, s13  }
0xf: {  	s5 =	sadd.s32 s7, s3;
	s7 =	sadd.s32 s30, s11;
	s8 =	sadd.s32 s18, s8  }
0x10: {  	s9 =	sadd.s32 s18, s9;
	s11 =	simm.s32 $0x100;
	s13 =	simm.s32 $0x300  }
0x11: {  	v2 =	vmov s15;
	v3 =	vmov s16;
	v4 =	vmov s17;
	s15 =	simm.s32 $0x8300;
	s16 =	simm.s32 $0x200;
	s17 =	simm.s32 $0x280  }
0x12: {  	v8 =	vimm.f32 $0.0e+00;
	v5 =	vmov s19;
	s18 =	sor.u32 $0x1C01, s31;
	s19 =	simm.s32 $0x0;
	s6 =	smax.u32 s12, $0x1  }
0x13: {  	v1 =	vmov s29;
	v6 =	vmov s20;
	v7 =	vmov s21;
	s7 =	sadd.s32 $0xA800, s7;
	s8 =	sadd.s32 $0x800, s8;
	s12 =	simm.s32 $0x80  }
.LBB2_1:
0x14: {  	s20 =	simm.s32 $0x0;
	s21 =	simm.s32 $0x200  }
.LBB2_2:
0x15: {  	p0 =	sne.s32 s21, $0x1AE00;
	[tilespmem:s20+$0x8370] =	vst v8  }
0x16: {  	[tilespmem:s20+$0x8300] =	vst v8  }
0x17: {  	[tilespmem:s20+$0x8310] =	vst v8  }
.Ltmp0:
0x18: {  	[tilespmem:s20+$0x8320] =	vst v8;
	(pc) =	sbr.rel @p0 .LBB2_2-.Ltmp0, $4  }
0x19: {  	[tilespmem:s20+$0x8330] =	vst v8  }
0x1a: {  	[tilespmem:s20+$0x8340] =	vst v8  }
0x1b: {  	[tilespmem:s20+$0x8350] =	vst v8  }
0x1c: {  	[tilespmem:s20+$0x8360] =	vst v8;
	s20 =	sshra.s32 s21, $0x2;
	s21 =	sadd.s32 $0x200, s21  }
0x1d: {  	[tilespmem:s20+$0x8370] =	vst v8  }
0x1e: {  	[tilespmem:s20+$0x8300] =	vst v8  }
0x1f: {  	[tilespmem:s20+$0x8310] =	vst v8  }
0x20: {  	[tilespmem:s20+$0x8320] =	vst v8  }
0x21: {  	[tilespmem:s20+$0x8330] =	vst v8  }
0x22: {  	[tilespmem:s20+$0x8340] =	vst v8  }
0x23: {  	[tilespmem:s20+$0x8350] =	vst v8  }
0x24: {  	[tilespmem:s20+$0x8360] =	vst v8;
	s30 =	sadd.s32 $0x0, s9  }
0x25: {  	[tilespmem:s4], [sflag:$0x1] =	stream.linear.gather [hbm4b:s30+s4], $0x100, $0x38;
	[tilespmem:$0x15B00] =	vst v63  }
0x26: {  	_ =	swait.ge [sflag:s10], $0x100  }
0x27: {  	[sflag:s10] =	ssyncset.done $0x0  }
0x28: {  	s31 =	sadd.s32 $0x0, s8;
	[sflag:s10] =	ssyncadd.s32 $0xFFFFFF00  }
0x29: {  	[tilespmem:s11], [sflag:$0x1] =	stream.linear.gather [hbm4b:s31+s4], $0x100, $0x38;
	[tilespmem:$0x15B00] =	vst v63  }
0x2a: {  	_ =	swait.ge [sflag:s10], $0x100  }
0x2b: {  	[sflag:s10] =	ssyncset.done $0x0  }
0x2c: {  	[sflag:s10] =	ssyncadd.s32 $0xFFFFFF00  }
0x2d: {  	[tilespmem:s13], [sflag:$0x1] =	stream.indirect.gather [hbm4b:s1+s12], $0x80, s4, s12, $0xb8;
	[tilespmem:$0x15B00] =	vst v63  }
0x2e: {  	_ =	swait.ge [sflag:s10], $0x4000  }
0x2f: {  	[sflag:s10] =	ssyncset.done $0x0  }
0x30: {  	[sflag:s10] =	ssyncadd.s32 $0xFFFFC000  }
0x31: {  	[tilespmem:s14], [sflag:$0x1] =	stream.indirect.gather [hbm4b:s1+s12], $0x80, s12, s12, $0xb8;
	[tilespmem:$0x15B00] =	vst v63  }
0x32: {  	_ =	swait.ge [sflag:s10], $0x4000  }
0x33: {  	[sflag:s10] =	ssyncset.done $0x0  }
0x34: {  	[sflag:s10] =	ssyncadd.s32 $0xFFFFC000  }
0x35: {  	[spmem:s5] =	stream.linear.scatter [tilespmem:s15], [sflag:$0x1], $0x6C00, $0x38;
	[tilespmem:$0x15B00] =	vst v63  }
0x36: {  	_ =	swait.ge [sflag:s10], $0x6C00  }
0x37: {  	[sflag:s10] =	ssyncset.done $0x0  }
0x38: {  	[sflag:s10] =	ssyncadd.s32 $0xFFFF9400  }
0x39: {  	v9 =	vld [tilespmem:$0x1F0]  }
0x3a: {  	v10 =	vld [tilespmem:$0x1B0]  }
0x3b: {  	v12 =	vld [tilespmem:$0x1C0]  }
0x3c: {  	v11 =	vld [tilespmem:$0x1D0]  }
0x3d: {  	v13 =	vld [tilespmem:$0x130]  }
0x3e: {  	v15 =	vld [tilespmem:$0x190];
	v9 =	vadd.s32 v7, v9  }
0x3f: {  	v14 =	vld [tilespmem:$0x1A0];
	v10 =	vadd.s32 v5, v10;
	[tilespmem:$0x2F0] =	vst v9  }
0x40: {  	v12 =	vadd.s32 v6, v12;
	v9 =	vld [tilespmem:$0x180];
	[tilespmem:$0x2B0] =	vst v10  }
0x41: {  	v10 =	vadd.s32 v6, v11;
	v11 =	vld [tilespmem:$0x170];
	[tilespmem:$0x2C0] =	vst v12  }
0x42: {  	[tilespmem:$0x2D0] =	vst v10;
	v10 =	vadd.s32 v1, v13;
	v13 =	vld [tilespmem:$0x160]  }
0x43: {  	v15 =	vadd.s32 v4, v15;
	[tilespmem:$0x230] =	vst v10;
	v10 =	vld [tilespmem:$0x150]  }
0x44: {  	v12 =	vadd.s32 v5, v14;
	v14 =	vld [tilespmem:$0x140];
	[tilespmem:$0x290] =	vst v15  }
0x45: {  	[tilespmem:$0x2A0] =	vst v12;
	v12 =	vld [tilespmem:$0x1E0];
	v9 =	vadd.s32 v4, v9  }
0x46: {  	v11 =	vadd.s32 v3, v11;
	[tilespmem:$0x280] =	vst v9  }
0x47: {  	v13 =	vadd.s32 v3, v13;
	[tilespmem:$0x270] =	vst v11;
	v9 =	vld [tilespmem:$0x120]  }
0x48: {  	v11 =	vadd.s32 v2, v10;
	[tilespmem:$0x260] =	vst v13;
	v10 =	vld [tilespmem:$0x110]  }
0x49: {  	v13 =	vadd.s32 v2, v14;
	[tilespmem:$0x250] =	vst v11;
	v11 =	vld [tilespmem:$0x100]  }
0x4a: {  	s21 =	simm.s32 $0x20;
	s22 =	smov.u32 s7;
	s20 =	smov.u32 s7;
	v12 =	vadd.s32 v7, v12;
	[tilespmem:$0x240] =	vst v13  }
.LBB2_4:
0x4b: {  	p0 =	sne.s32 s21, $0x4E0  }
0x4c: {  	[tilespmem:$0x2E0] =	vst v12;
	s22 =	sadd.s32 $0xD80, s22;
	s24 =	smov.u32 s21;
	s21 =	sadd.s32 $0x20, s21  }
0x4d: {  	v10 =	vadd.s32 v0, v10  }
0x4e: {  	v9 =	vadd.s32 v1, v9;
	v11 =	vadd.s32 v0, v11;
	[tilespmem:$0x210] =	vst v10  }
0x4f: {  	[tilespmem:$0x200] =	vst v11  }
0x50: {  	[tilespmem:$0x220] =	vst v9  }
0x51: {  	[spmem:s3] =	stream.indirect.scatter.add.f32 [tilespmem:s13], [sflag:$0x1], $0x80, s16, s12, $0xb8;
	[tilespmem:$0x15B00] =	vst v63  }
0x52: {  	_ =	swait.ge [sflag:s10], $0x4000  }
0x53: {  	[sflag:s10] =	ssyncset.done $0x0  }
0x54: {  	[sflag:s10] =	ssyncadd.s32 $0xFFFFC000  }
0x55: {  	[spmem:s3] =	stream.indirect.scatter.add.f32 [tilespmem:s14], [sflag:$0x1], $0x80, s17, s12, $0xb8;
	[tilespmem:$0x15B00] =	vst v63  }
0x56: {  	_ =	swait.ge [sflag:s10], $0x4000  }
0x57: {  	[sflag:s10] =	ssyncset.done $0x0  }
0x58: {  	s23 =	sshrl.u32 s5, $0x3;
	[sflag:s10] =	ssyncadd.s32 $0xFFFFC000  }
0x59: {  	[hbm:s20], [sflag:s18] =	dma.local [spmem:s23], $0xD80  }
0x5a: {  	s20 =	smov.u32 s22;
	_ =	swait.ge [sflag:s10], $0xD80  }
0x5b: {  	[sflag:s10] =	ssyncset.done $0x0  }
0x5c: {  	s25 =	sadd.s32 s24, s9;
	[sflag:s10] =	ssyncadd.s32 $0xFFFFF280  }
0x5d: {  	[tilespmem:s4], [sflag:$0x1] =	stream.linear.gather [hbm4b:s25+s4], $0x100, $0x38;
	[tilespmem:$0x15B00] =	vst v63  }
0x5e: {  	_ =	swait.ge [sflag:s10], $0x100  }
0x5f: {  	[sflag:s10] =	ssyncset.done $0x0  }
0x60: {  	s24 =	sadd.s32 s24, s8;
	[sflag:s10] =	ssyncadd.s32 $0xFFFFFF00  }
0x61: {  	[tilespmem:s11], [sflag:$0x1] =	stream.linear.gather [hbm4b:s24+s4], $0x100, $0x38;
	[tilespmem:$0x15B00] =	vst v63  }
0x62: {  	_ =	swait.ge [sflag:s10], $0x100  }
0x63: {  	[sflag:s10] =	ssyncset.done $0x0  }
0x64: {  	[sflag:s10] =	ssyncadd.s32 $0xFFFFFF00  }
0x65: {  	[tilespmem:s13], [sflag:$0x1] =	stream.indirect.gather [hbm4b:s1+s12], $0x80, s4, s12, $0xb8;
	[tilespmem:$0x15B00] =	vst v63  }
0x66: {  	_ =	swait.ge [sflag:s10], $0x4000  }
0x67: {  	[sflag:s10] =	ssyncset.done $0x0  }
0x68: {  	[sflag:s10] =	ssyncadd.s32 $0xFFFFC000  }
0x69: {  	[tilespmem:s14], [sflag:$0x1] =	stream.indirect.gather [hbm4b:s1+s12], $0x80, s12, s12, $0xb8;
	[tilespmem:$0x15B00] =	vst v63  }
0x6a: {  	_ =	swait.ge [sflag:s10], $0x4000  }
0x6b: {  	[sflag:s10] =	ssyncset.done $0x0  }
0x6c: {  	[sflag:s10] =	ssyncadd.s32 $0xFFFFC000  }
0x6d: {  	[spmem:s5] =	stream.linear.scatter [tilespmem:s15], [sflag:$0x1], $0x6C00, $0x38;
	[tilespmem:$0x15B00] =	vst v63  }
0x6e: {  	_ =	swait.ge [sflag:s10], $0x6C00  }
0x6f: {  	[sflag:s10] =	ssyncset.done $0x0  }
0x70: {  	[sflag:s10] =	ssyncadd.s32 $0xFFFF9400  }
0x71: {  	v9 =	vld [tilespmem:$0x1F0]  }
0x72: {  	v10 =	vld [tilespmem:$0x1B0]  }
0x73: {  	v11 =	vld [tilespmem:$0x1D0]  }
0x74: {  	v12 =	vld [tilespmem:$0x1C0]  }
0x75: {  	v13 =	vld [tilespmem:$0x130]  }
0x76: {  	v14 =	vld [tilespmem:$0x1A0];
	v9 =	vadd.s32 v7, v9  }
0x77: {  	v15 =	vld [tilespmem:$0x190];
	v10 =	vadd.s32 v5, v10;
	[tilespmem:$0x2F0] =	vst v9  }
0x78: {  	v9 =	vld [tilespmem:$0x180];
	[tilespmem:$0x2B0] =	vst v10;
	v10 =	vadd.s32 v6, v11  }
0x79: {  	v11 =	vld [tilespmem:$0x170];
	v12 =	vadd.s32 v6, v12;
	[tilespmem:$0x2D0] =	vst v10  }
0x7a: {  	v10 =	vadd.s32 v1, v13;
	v13 =	vld [tilespmem:$0x160];
	[tilespmem:$0x2C0] =	vst v12  }
0x7b: {  	[tilespmem:$0x230] =	vst v10;
	v12 =	vld [tilespmem:$0x150];
	v10 =	vadd.s32 v5, v14  }
0x7c: {  	v14 =	vld [tilespmem:$0x140];
	v15 =	vadd.s32 v4, v15;
	[tilespmem:$0x2A0] =	vst v10  }
0x7d: {  	v10 =	vadd.s32 v4, v9;
	[tilespmem:$0x290] =	vst v15;
	v15 =	vld [tilespmem:$0x1E0]  }
.Ltmp1:
0x7e: {  	v9 =	vld [tilespmem:$0x120];
	v11 =	vadd.s32 v3, v11;
	[tilespmem:$0x280] =	vst v10;
	(pc) =	sbr.rel @p0 .LBB2_4-.Ltmp1, $4  }
0x7f: {  	v10 =	vld [tilespmem:$0x110];
	v13 =	vadd.s32 v3, v13;
	[tilespmem:$0x270] =	vst v11  }
0x80: {  	v11 =	vld [tilespmem:$0x100];
	v12 =	vadd.s32 v2, v12;
	[tilespmem:$0x260] =	vst v13  }
0x81: {  	v13 =	vadd.s32 v2, v14;
	[tilespmem:$0x250] =	vst v12  }
0x82: {  	[tilespmem:$0x240] =	vst v13;
	v12 =	vadd.s32 v7, v15  }
0x83: {  	[tilespmem:$0x2E0] =	vst v12;
	v9 =	vadd.s32 v1, v9  }
0x84: {  	v10 =	vadd.s32 v0, v10;
	[tilespmem:$0x220] =	vst v9  }
0x85: {  	v11 =	vadd.s32 v0, v11;
	[tilespmem:$0x210] =	vst v10  }
0x86: {  	[tilespmem:$0x200] =	vst v11  }
0x87: {  	[spmem:s3] =	stream.indirect.scatter.add.f32 [tilespmem:s13], [sflag:$0x1], $0x80, s16, s12, $0xb8;
	[tilespmem:$0x15B00] =	vst v63  }
0x88: {  	_ =	swait.ge [sflag:s10], $0x4000  }
0x89: {  	[sflag:s10] =	ssyncset.done $0x0  }
0x8a: {  	[sflag:s10] =	ssyncadd.s32 $0xFFFFC000  }
0x8b: {  	[spmem:s3] =	stream.indirect.scatter.add.f32 [tilespmem:s14], [sflag:$0x1], $0x80, s17, s12, $0xb8;
	[tilespmem:$0x15B00] =	vst v63  }
0x8c: {  	s19 =	sadd.s32 $0x1, s19;
	_ =	swait.ge [sflag:s10], $0x4000  }
0x8d: {  	p0 =	sne.s32 s19, s6;
	[sflag:s10] =	ssyncset.done $0x0  }
.Ltmp2:
0x8e: {  	[sflag:s10] =	ssyncadd.s32 $0xFFFFC000;
	(pc) =	sbr.rel @p0 .LBB2_1-.Ltmp2, $4  }
0x8f: {  	[hbm:s20], [sflag:s18] =	dma.local [spmem:s23], $0xD80  }
0x90: {  	_ =	swait.ge [sflag:s10], $0xD80  }
0x91: {  	[sflag:s10] =	ssyncset.done $0x0  }
0x92: {  	[sflag:s10] =	ssyncadd.s32 $0xFFFFF280  }
0x93: {  	_ =	sfence.sel $0x180000  }
0x94: {  	[bflag:$0x0] =	sbarrier.arrive $0xFFFF  }
0x95: {  	p0 =	sne.s32 s2, $0x0;
	_ =	strace $0x90000047  }
0x96: {  	s0 =	sadd.s32 @!p0 $0x100000, s0;
	[bflag:$0x2] =	sbarrier.arrive $0xFFFF  }
0x97: {  	[sflag:s0] =	ssyncadd.tile.s32 @!p0 $0x1;
	_ =	shalt  }
.Lfunc_end2:
_tile_overlayer_lowered:
.L_overlay_start_2:
0x98: {  	(tag) =	ssettag $0x2  }
0x99: {  	s0 =	rddreg [dreg:$0x0];
	s2 =	stileid.u32  }
0x9a: {  	s1 =	rddreg [dreg:$0x1];
	p0 =	sne.s32 s2, $0x0  }
0x9b: {  	s3 =	rddreg [dreg:$0x2];
	[bflag:$0x3] =	sbarrier.arrive $0xFFFF;
	s2 =	simm.s32 @!p0 $0x1C01  }
0x9c: {  	[timem:s3], [sflag:s2] =	dma.local @!p0 [hbm:s0], s1  }
0x9d: {  	s0 =	simm.s32 @!p0 $0x1  }
0x9e: {  	_ =	swait.ge @!p0 [sflag:s0], s1  }
0x9f: {  	s1 =	ssub.s32 @!p0 $0x0, s1;
	[sflag:s0] =	ssyncset.done @!p0 $0x0  }
0xa0: {  	[sflag:s0] =	ssyncadd.s32 @!p0 s1  }
0xa1: {  	[bflag:$0x3] =	sbarrier.arrive $0xFFFF  }
0xa2: {  	_ =	shalt  }

</sc_bundles>
